<compile_context>
chip_gen: v7x
topology: tpu7x:2x2x1
jax: 0.10.2.dev20260603
libtpu: 0.0.44.dev20260713+nightly
codegen_flags: <defaults>
</compile_context>

<pallas_src>
import jax
import jax.numpy as jnp
from jax import lax
from jax.experimental import pallas as pl
from jax.experimental.pallas import tpu as pltpu
from jax.experimental.pallas import tpu_sc as plsc

BATCH = 16384
NUM_EMBEDDINGS = 31
DIM = 10
LANES = 16
NUM_CORES = 1
NUM_WORKERS = NUM_CORES * 16
B_PER_W = BATCH // NUM_WORKERS
VREGS_PER_W = B_PER_W // LANES


def _sc_body(idx_hbm, tab_hbm, out_hbm, idx_v, tab_v, out_v, sem_i, sem_t):
    c = lax.axis_index("c")
    s = lax.axis_index("s")
    wid = s * NUM_CORES + c
    base = wid * B_PER_W

    cp_i = pltpu.async_copy(idx_hbm.at[pl.ds(base, B_PER_W)], idx_v, sem_i)
    cp_t = pltpu.async_copy(tab_hbm, tab_v, sem_t)
    cp_i.wait()
    cp_t.wait()

    lanes = lax.iota(jnp.int32, LANES)

    @plsc.parallel_loop(0, VREGS_PER_W, unroll=8)
    def body(i):
        idx16 = idx_v[pl.ds(i * LANES, LANES)]
        addr = idx16 * (10 * DIM)
        obase = i * (LANES * DIM) + lanes * DIM
        for d in range(DIM):
            vals = plsc.load_gather(tab_v, [addr + d])
            plsc.store_scatter(out_v, [obase + d], vals)

    pltpu.sync_copy(out_v, out_hbm.at[pl.ds(base * DIM, B_PER_W * DIM)])


@jax.jit
def kernel(inputs, embedding_table):
    idx = inputs.reshape(BATCH)
    mesh = plsc.VectorSubcoreMesh(
        core_axis_name="c", subcore_axis_name="s", num_cores=NUM_CORES
    )
    out = pl.kernel(
        _sc_body,
        out_type=jax.ShapeDtypeStruct((BATCH * DIM,), jnp.float32),
        mesh=mesh,
        compiler_params=pltpu.CompilerParams(
            needs_layout_passes=False,
            disable_bounds_checks=True,
        ),
        scratch_types=[
            pltpu.VMEM((B_PER_W,), jnp.int32),
            pltpu.VMEM((NUM_EMBEDDINGS * DIM,), jnp.float32),
            pltpu.VMEM((B_PER_W * DIM,), jnp.float32),
            pltpu.SemaphoreType.DMA,
            pltpu.SemaphoreType.DMA,
        ],
    )(idx, embedding_table.reshape(NUM_EMBEDDINGS * DIM))
    return out.reshape(BATCH, 1, DIM)

# --- scband reference (transcript-rebuilt; emitter-appended) ---
"""Pipeline reference for scband-my-model-87522843559654 (READ-ONLY COPY).

The authoritative reference and input builder live on the scoring server;
editing this copy changes nothing except your own understanding.
"""

import jax, jax.numpy as jnp
import numpy as np

BATCH = 16384
NUM_EMBEDDINGS = 31  # max(values) + 1 = 30 + 1
EMBED_DIM = 10


def setup_inputs(seed: int = 0) -> dict:
    key = jax.random.key(seed)
    k_idx, k_tab = jax.random.split(key)
    inputs = jax.random.randint(k_idx, (BATCH, 1), 0, 4).astype(jnp.int32)
    embedding_table = jax.random.uniform(
        k_tab, (NUM_EMBEDDINGS, EMBED_DIM), dtype=jnp.float32,
        minval=-0.05, maxval=0.05,
    )
    return {"inputs": inputs, "embedding_table": embedding_table}


def reference(inputs, embedding_table):
    # StaticHashTable: keys [0,1,2,3] -> values [0,10,20,30], default -1
    table_keys = jnp.array([0, 1, 2, 3], dtype=jnp.int32)
    table_values = jnp.array([0, 10, 20, 30], dtype=jnp.int32)
    matches = inputs[..., None] == table_keys  # (B, 1, 4)
    found = jnp.any(matches, axis=-1)
    match_idx = jnp.argmax(matches, axis=-1)
    translated = jnp.where(found, jnp.take(table_values, match_idx), -1)
    # Embedding lookup (gather). Inputs are guaranteed in-range here,
    # so translated is in {0, 10, 20, 30}.
    embedded = jnp.take(embedding_table, translated, axis=0)  # (B, 1, 10)
    return embedded

if __name__ == "__main__":
    import jax
    _d = setup_inputs()
    print(jax.jit(kernel)(*tuple(_d.values())))

</pallas_src>

<mosaic_0001>
#map = affine_map<(d0, d1) -> (0)>
module attributes {stable_mosaic.version = 14 : i64} {
  func.func @_sc_body(%arg0: i32, %arg1: i32, %arg2: memref<16384xi32, #tpu.memory_space<hbm>>, %arg3: memref<310xf32, #tpu.memory_space<hbm>>, %arg4: memref<163840xf32, #tpu.memory_space<hbm>>, %arg5: memref<1024xi32, #tpu.memory_space<vmem>>, %arg6: memref<310xf32, #tpu.memory_space<vmem>>, %arg7: memref<10240xf32, #tpu.memory_space<vmem>>, %arg8: memref<!tpu.dma_semaphore, #tpu.memory_space<semaphore_mem>>, %arg9: memref<!tpu.dma_semaphore, #tpu.memory_space<semaphore_mem>>) attributes {dimension_semantics = [#tpu.dimension_semantics<core_parallel>, #tpu.dimension_semantics<subcore_parallel>], iteration_bounds = array<i64: 1, 16>, scalar_prefetch = 0 : i64, scratch_operands = 5 : i64, tpu.core_type = #tpu.core_type<sc_vector_subcore>, window_params = [{transform_indices = #map}, {transform_indices = #map}, {transform_indices = #map}]} {
    %mul3A = arith.constant 1 : i32
    %mul3A_0 = arith.muli %arg1, %mul3A : i32
    %add3A = arith.addi %mul3A_0, %arg0 : i32
    %mul3A_1 = arith.constant 1024 : i32
    %mul3A_2 = arith.muli %add3A, %mul3A_1 : i32
    %dma_start3A = tpu.memref_slice %arg2[%mul3A_2] : memref<16384xi32, #tpu.memory_space<hbm>> -> memref<1024xi32, #tpu.memory_space<hbm>>
    %dma_start3A_3 = tpu.memref_slice %arg2[%mul3A_2] : memref<16384xi32, #tpu.memory_space<hbm>> -> memref<1024xi32, #tpu.memory_space<hbm>>
    tpu.enqueue_dma source(%dma_start3A_3 : memref<1024xi32, #tpu.memory_space<hbm>>) target(%arg5 : memref<1024xi32, #tpu.memory_space<vmem>>) target_semaphore(%arg8 : memref<!tpu.dma_semaphore, #tpu.memory_space<semaphore_mem>>)
    tpu.enqueue_dma source(%arg3 : memref<310xf32, #tpu.memory_space<hbm>>) target(%arg6 : memref<310xf32, #tpu.memory_space<vmem>>) target_semaphore(%arg9 : memref<!tpu.dma_semaphore, #tpu.memory_space<semaphore_mem>>)
    %dma_wait3A = tpu.memref_slice %arg2[%mul3A_2] : memref<16384xi32, #tpu.memory_space<hbm>> -> memref<1024xi32, #tpu.memory_space<hbm>>
    %dma_wait3A_4 = tpu.memref_slice %arg2[%mul3A_2] : memref<16384xi32, #tpu.memory_space<hbm>> -> memref<1024xi32, #tpu.memory_space<hbm>>
    tpu.wait_dma2 semaphore(%arg8 : memref<!tpu.dma_semaphore, #tpu.memory_space<semaphore_mem>>) src(%dma_wait3A_4 : memref<1024xi32, #tpu.memory_space<hbm>>) dst(%arg5 : memref<1024xi32, #tpu.memory_space<vmem>>)
    tpu.wait_dma2 semaphore(%arg9 : memref<!tpu.dma_semaphore, #tpu.memory_space<semaphore_mem>>) src(%arg3 : memref<310xf32, #tpu.memory_space<hbm>>) dst(%arg6 : memref<310xf32, #tpu.memory_space<vmem>>)
    %iota3A = tpu.iota {dimensions = array<i32: 0>} : vector<16xi32>
    %parallel_loop3A = arith.constant 0 : i32
    %parallel_loop3A_5 = arith.constant 64 : i32
    %parallel_loop3A_6 = arith.constant 1 : i32
    scf.for %parallel_loop3A_9 = %parallel_loop3A to %parallel_loop3A_5 step %parallel_loop3A_6  : i32 {
      %parallel_loop3A_10 = arith.constant 16 : i32
      %parallel_loop3A_11 = arith.muli %parallel_loop3A_9, %parallel_loop3A_10 : i32
      %parallel_loop3A_12 = arith.index_cast %parallel_loop3A_11 : i32 to index
      %parallel_loop3A_13 = tpu.vector_load %arg5[%parallel_loop3A_12] {strides = array<i32>} : memref<1024xi32, #tpu.memory_space<vmem>>, vector<16xi32>,
      %parallel_loop3A_14 = arith.constant 100 : i32
      %parallel_loop3A_15 = vector.broadcast %parallel_loop3A_14 : i32 to vector<16xi32>
      %parallel_loop3A_16 = arith.muli %parallel_loop3A_13, %parallel_loop3A_15 : vector<16xi32>
      %parallel_loop3A_17 = arith.constant 160 : i32
      %parallel_loop3A_18 = arith.muli %parallel_loop3A_9, %parallel_loop3A_17 : i32
      %parallel_loop3A_19 = arith.constant 10 : i32
      %parallel_loop3A_20 = vector.broadcast %parallel_loop3A_19 : i32 to vector<16xi32>
      %parallel_loop3A_21 = arith.muli %iota3A, %parallel_loop3A_20 : vector<16xi32>
      %parallel_loop3A_22 = vector.broadcast %parallel_loop3A_18 : i32 to vector<16xi32>
      %parallel_loop3A_23 = arith.addi %parallel_loop3A_22, %parallel_loop3A_21 : vector<16xi32>
      %parallel_loop3A_24 = arith.constant 0 : i32
      %parallel_loop3A_25 = vector.broadcast %parallel_loop3A_24 : i32 to vector<16xi32>
      %parallel_loop3A_26 = arith.addi %parallel_loop3A_16, %parallel_loop3A_25 : vector<16xi32>
      %parallel_loop3A_27 = tpu.vector_load_idx %arg6[%parallel_loop3A_26] : memref<310xf32, #tpu.memory_space<vmem>>[vector<16xi32>], vector<16xf32>,
      %parallel_loop3A_28 = arith.constant 0 : i32
      %parallel_loop3A_29 = vector.broadcast %parallel_loop3A_28 : i32 to vector<16xi32>
      %parallel_loop3A_30 = arith.addi %parallel_loop3A_23, %parallel_loop3A_29 : vector<16xi32>
      tpu.vector_store_idx %arg7[%parallel_loop3A_30], %parallel_loop3A_27 : memref<10240xf32, #tpu.memory_space<vmem>>[vector<16xi32>], vector<16xf32>,
      %parallel_loop3A_31 = arith.constant 1 : i32
      %parallel_loop3A_32 = vector.broadcast %parallel_loop3A_31 : i32 to vector<16xi32>
      %parallel_loop3A_33 = arith.addi %parallel_loop3A_16, %parallel_loop3A_32 : vector<16xi32>
      %parallel_loop3A_34 = tpu.vector_load_idx %arg6[%parallel_loop3A_33] : memref<310xf32, #tpu.memory_space<vmem>>[vector<16xi32>], vector<16xf32>,
      %parallel_loop3A_35 = arith.constant 1 : i32
      %parallel_loop3A_36 = vector.broadcast %parallel_loop3A_35 : i32 to vector<16xi32>
      %parallel_loop3A_37 = arith.addi %parallel_loop3A_23, %parallel_loop3A_36 : vector<16xi32>
      tpu.vector_store_idx %arg7[%parallel_loop3A_37], %parallel_loop3A_34 : memref<10240xf32, #tpu.memory_space<vmem>>[vector<16xi32>], vector<16xf32>,
      %parallel_loop3A_38 = arith.constant 2 : i32
      %parallel_loop3A_39 = vector.broadcast %parallel_loop3A_38 : i32 to vector<16xi32>
      %parallel_loop3A_40 = arith.addi %parallel_loop3A_16, %parallel_loop3A_39 : vector<16xi32>
      %parallel_loop3A_41 = tpu.vector_load_idx %arg6[%parallel_loop3A_40] : memref<310xf32, #tpu.memory_space<vmem>>[vector<16xi32>], vector<16xf32>,
      %parallel_loop3A_42 = arith.constant 2 : i32
      %parallel_loop3A_43 = vector.broadcast %parallel_loop3A_42 : i32 to vector<16xi32>
      %parallel_loop3A_44 = arith.addi %parallel_loop3A_23, %parallel_loop3A_43 : vector<16xi32>
      tpu.vector_store_idx %arg7[%parallel_loop3A_44], %parallel_loop3A_41 : memref<10240xf32, #tpu.memory_space<vmem>>[vector<16xi32>], vector<16xf32>,
      %parallel_loop3A_45 = arith.constant 3 : i32
      %parallel_loop3A_46 = vector.broadcast %parallel_loop3A_45 : i32 to vector<16xi32>
      %parallel_loop3A_47 = arith.addi %parallel_loop3A_16, %parallel_loop3A_46 : vector<16xi32>
      %parallel_loop3A_48 = tpu.vector_load_idx %arg6[%parallel_loop3A_47] : memref<310xf32, #tpu.memory_space<vmem>>[vector<16xi32>], vector<16xf32>,
      %parallel_loop3A_49 = arith.constant 3 : i32
      %parallel_loop3A_50 = vector.broadcast %parallel_loop3A_49 : i32 to vector<16xi32>
      %parallel_loop3A_51 = arith.addi %parallel_loop3A_23, %parallel_loop3A_50 : vector<16xi32>
      tpu.vector_store_idx %arg7[%parallel_loop3A_51], %parallel_loop3A_48 : memref<10240xf32, #tpu.memory_space<vmem>>[vector<16xi32>], vector<16xf32>,
      %parallel_loop3A_52 = arith.constant 4 : i32
      %parallel_loop3A_53 = vector.broadcast %parallel_loop3A_52 : i32 to vector<16xi32>
      %parallel_loop3A_54 = arith.addi %parallel_loop3A_16, %parallel_loop3A_53 : vector<16xi32>
      %parallel_loop3A_55 = tpu.vector_load_idx %arg6[%parallel_loop3A_54] : memref<310xf32, #tpu.memory_space<vmem>>[vector<16xi32>], vector<16xf32>,
      %parallel_loop3A_56 = arith.constant 4 : i32
      %parallel_loop3A_57 = vector.broadcast %parallel_loop3A_56 : i32 to vector<16xi32>
      %parallel_loop3A_58 = arith.addi %parallel_loop3A_23, %parallel_loop3A_57 : vector<16xi32>
      tpu.vector_store_idx %arg7[%parallel_loop3A_58], %parallel_loop3A_55 : memref<10240xf32, #tpu.memory_space<vmem>>[vector<16xi32>], vector<16xf32>,
      %parallel_loop3A_59 = arith.constant 5 : i32
      %parallel_loop3A_60 = vector.broadcast %parallel_loop3A_59 : i32 to vector<16xi32>
      %parallel_loop3A_61 = arith.addi %parallel_loop3A_16, %parallel_loop3A_60 : vector<16xi32>
      %parallel_loop3A_62 = tpu.vector_load_idx %arg6[%parallel_loop3A_61] : memref<310xf32, #tpu.memory_space<vmem>>[vector<16xi32>], vector<16xf32>,
      %parallel_loop3A_63 = arith.constant 5 : i32
      %parallel_loop3A_64 = vector.broadcast %parallel_loop3A_63 : i32 to vector<16xi32>
      %parallel_loop3A_65 = arith.addi %parallel_loop3A_23, %parallel_loop3A_64 : vector<16xi32>
      tpu.vector_store_idx %arg7[%parallel_loop3A_65], %parallel_loop3A_62 : memref<10240xf32, #tpu.memory_space<vmem>>[vector<16xi32>], vector<16xf32>,
      %parallel_loop3A_66 = arith.constant 6 : i32
      %parallel_loop3A_67 = vector.broadcast %parallel_loop3A_66 : i32 to vector<16xi32>
      %parallel_loop3A_68 = arith.addi %parallel_loop3A_16, %parallel_loop3A_67 : vector<16xi32>
      %parallel_loop3A_69 = tpu.vector_load_idx %arg6[%parallel_loop3A_68] : memref<310xf32, #tpu.memory_space<vmem>>[vector<16xi32>], vector<16xf32>,
      %parallel_loop3A_70 = arith.constant 6 : i32
      %parallel_loop3A_71 = vector.broadcast %parallel_loop3A_70 : i32 to vector<16xi32>
      %parallel_loop3A_72 = arith.addi %parallel_loop3A_23, %parallel_loop3A_71 : vector<16xi32>
      tpu.vector_store_idx %arg7[%parallel_loop3A_72], %parallel_loop3A_69 : memref<10240xf32, #tpu.memory_space<vmem>>[vector<16xi32>], vector<16xf32>,
      %parallel_loop3A_73 = arith.constant 7 : i32
      %parallel_loop3A_74 = vector.broadcast %parallel_loop3A_73 : i32 to vector<16xi32>
      %parallel_loop3A_75 = arith.addi %parallel_loop3A_16, %parallel_loop3A_74 : vector<16xi32>
      %parallel_loop3A_76 = tpu.vector_load_idx %arg6[%parallel_loop3A_75] : memref<310xf32, #tpu.memory_space<vmem>>[vector<16xi32>], vector<16xf32>,
      %parallel_loop3A_77 = arith.constant 7 : i32
      %parallel_loop3A_78 = vector.broadcast %parallel_loop3A_77 : i32 to vector<16xi32>
      %parallel_loop3A_79 = arith.addi %parallel_loop3A_23, %parallel_loop3A_78 : vector<16xi32>
      tpu.vector_store_idx %arg7[%parallel_loop3A_79], %parallel_loop3A_76 : memref<10240xf32, #tpu.memory_space<vmem>>[vector<16xi32>], vector<16xf32>,
      %parallel_loop3A_80 = arith.constant 8 : i32
      %parallel_loop3A_81 = vector.broadcast %parallel_loop3A_80 : i32 to vector<16xi32>
      %parallel_loop3A_82 = arith.addi %parallel_loop3A_16, %parallel_loop3A_81 : vector<16xi32>
      %parallel_loop3A_83 = tpu.vector_load_idx %arg6[%parallel_loop3A_82] : memref<310xf32, #tpu.memory_space<vmem>>[vector<16xi32>], vector<16xf32>,
      %parallel_loop3A_84 = arith.constant 8 : i32
      %parallel_loop3A_85 = vector.broadcast %parallel_loop3A_84 : i32 to vector<16xi32>
      %parallel_loop3A_86 = arith.addi %parallel_loop3A_23, %parallel_loop3A_85 : vector<16xi32>
      tpu.vector_store_idx %arg7[%parallel_loop3A_86], %parallel_loop3A_83 : memref<10240xf32, #tpu.memory_space<vmem>>[vector<16xi32>], vector<16xf32>,
      %parallel_loop3A_87 = arith.constant 9 : i32
      %parallel_loop3A_88 = vector.broadcast %parallel_loop3A_87 : i32 to vector<16xi32>
      %parallel_loop3A_89 = arith.addi %parallel_loop3A_16, %parallel_loop3A_88 : vector<16xi32>
      %parallel_loop3A_90 = tpu.vector_load_idx %arg6[%parallel_loop3A_89] : memref<310xf32, #tpu.memory_space<vmem>>[vector<16xi32>], vector<16xf32>,
      %parallel_loop3A_91 = arith.constant 9 : i32
      %parallel_loop3A_92 = vector.broadcast %parallel_loop3A_91 : i32 to vector<16xi32>
      %parallel_loop3A_93 = arith.addi %parallel_loop3A_23, %parallel_loop3A_92 : vector<16xi32>
      tpu.vector_store_idx %arg7[%parallel_loop3A_93], %parallel_loop3A_90 : memref<10240xf32, #tpu.memory_space<vmem>>[vector<16xi32>], vector<16xf32>,
    } {sc.loop_unroll_factor = 8 : i64, sc.parallel_access}
    %mul3A_7 = arith.constant 10 : i32
    %mul3A_8 = arith.muli %mul3A_2, %mul3A_7 : i32
    "tpu.region"() ({
      %run_scoped3A = tpu.sem_alloc : memref<!tpu.dma_semaphore, #tpu.memory_space<semaphore_mem>>
      %dma_start3A_9 = tpu.memref_slice %arg4[%mul3A_8] : memref<163840xf32, #tpu.memory_space<hbm>> -> memref<10240xf32, #tpu.memory_space<hbm>>
      %dma_start3A_10 = tpu.memref_slice %arg4[%mul3A_8] : memref<163840xf32, #tpu.memory_space<hbm>> -> memref<10240xf32, #tpu.memory_space<hbm>>
      tpu.enqueue_dma source(%arg7 : memref<10240xf32, #tpu.memory_space<vmem>>) target(%dma_start3A_10 : memref<10240xf32, #tpu.memory_space<hbm>>) target_semaphore(%run_scoped3A : memref<!tpu.dma_semaphore, #tpu.memory_space<semaphore_mem>>)
      %dma_wait3A_11 = tpu.memref_slice %arg4[%mul3A_8] : memref<163840xf32, #tpu.memory_space<hbm>> -> memref<10240xf32, #tpu.memory_space<hbm>>
      %dma_wait3A_12 = tpu.memref_slice %arg4[%mul3A_8] : memref<163840xf32, #tpu.memory_space<hbm>> -> memref<10240xf32, #tpu.memory_space<hbm>>
      tpu.wait_dma2 semaphore(%run_scoped3A : memref<!tpu.dma_semaphore, #tpu.memory_space<semaphore_mem>>) src(%arg7 : memref<10240xf32, #tpu.memory_space<vmem>>) dst(%dma_wait3A_12 : memref<10240xf32, #tpu.memory_space<hbm>>)
      tpu.yield
    }) : () -> ()
    return
  }
}

</mosaic_0001>

<sc_bundles>
// kernel: kernel.3.cloned.1.call-start
scs
__scs_entry_jumppad:
0x0: {  	(pc) =	sbr.rel $0x88, $3  }
0x1: {  	(tag) =	ssettag $0x0;
	lr =	simm.s32 $0x1  }
0x2: {  	[smem:$0x3F9F] =	sst lr;
	_ =	strace $0xD0000000  }
0x3: {  	_ = 	snop  }
0x4: {  	_ = 	snop  }
0x5: {  	_ = 	snop  }
0x6: {  	_ = 	snop  }
0x7: {  	_ = 	snop  }
__scs_overlays_trampoline_lowered:
0x8: {  	[smem:$0x3FAE] =	sst s0  }
0x9: {  	[smem:$0x3FAF] =	sst s1  }
0xa: {  	[smem:$0x3FB0] =	sst s2  }
0xb: {  	[smem:$0x3FB1] =	sst s3  }
0xc: {  	[smem:$0x3FB2] =	sst s4  }
0xd: {  	[smem:$0x3FB3] =	sst s5  }
0xe: {  	[smem:$0x3FB4] =	sst s6  }
0xf: {  	[smem:$0x3FB5] =	sst s7  }
0x10: {  	[smem:$0x3FB6] =	sst s8  }
0x11: {  	[smem:$0x3FB7] =	sst s9;
	s0 =	simm.s32 @!p0 $0x0  }
0x12: {  	s1 =	sld [smem:$0x3F9D];
	s0 =	simm.s32 @p0 $0x1  }
0x13: {  	[smem:$0x3FB8] =	sst s0;
	s0 =	simm.s32 @!p1 $0x0  }
0x14: {  	s2 =	sld [smem:$0x3F9C];
	s0 =	simm.s32 @p1 $0x1  }
0x15: {  	[smem:$0x3FB9] =	sst s0;
	s0 =	simm.s32 @!p2 $0x0  }
0x16: {  	s3 =	sld [smem:$0x3FDB];
	s0 =	simm.s32 @p2 $0x1  }
0x17: {  	s4 =	simm.s32 $0x1BF5;
	[smem:$0x3FBB] =	sst s0  }
0x18: {  	s0 =	sld [smem:$0x3F9E];
	_ =	swait.ge [sflag:s4], $0x0  }
0x19: {  	s7 =	sld [smem:$0x3F9F]  }
0x1a: {  	s8 =	sadd.s32 $0xFFFFE003, lr  }
0x1b: {  	s9 =	sadd.s32 $0xFFFFFEF7, lr;
	s5 =	simm.s32 $0xFFFFFFFF;
	p2 =	slt.u32 s8, $0xFFFFF086  }
0x1c: {  	p1 =	slt.u32 s9, $0xF7A;
	s5 =	simm.s32 @!p2 $0x0  }
0x1d: {  	s5 =	simm.s32 @p1 $0x1;
	p0 =	seq.s32 s7, s2  }
0x1e: {  	s7 =	smul.u32 @!p0 $0xF7A, s2;
	p2 =	seq.s32 @!p0 s5, $0x0  }
0x1f: {  	s9 =	smul.u32 $0xF7A, s1;
	s8 =	simm.s32 @!p0 $0x1BF5;
	p2 =	por !p2, p0  }
0x20: {  	[sflag:s8] =	ssyncset.s32 @!p0 $0xFFFFF086;
	s6 =	sadd.s32 @!p0 s3, s7;
	s7 =	simm.s32 @!p0 $0x108  }
0x21: {  	s3 =	sadd.s32 s3, s9;
	s6 =	sadd.s32 @!p0 $0x88, s6;
	s7 =	simm.s32 @p2 $0x1082  }
0x22: {  	[simem:s7], [sflag:s8] =	dma.local @!p0 [hbm:s6], $0xF7A  }
0x23: {  	s9 =	sor.u32 $0xD0000000, s2;
	s6 =	simm.s32 $0x108;
	_ =	swait.ge @!p0 [sflag:s8], $0x0  }
0x24: {  	s3 =	sadd.s32 $0x88, s3;
	s6 =	simm.s32 @!p1 $0x1082;
	[sflag:s4] =	ssyncset.s32 $0xFFFFF086  }
0x25: {  	[simem:s6], [sflag:s4] =	dma.local [hbm:s3], $0xF7A  }
0x26: {  	[smem:$0x3F9F] =	sst s1;
	(tag) =	ssettag s2;
	_ =	strace s9  }
0x27: {  	s1 =	sld [smem:$0x3FAF]  }
0x28: {  	s2 =	sld [smem:$0x3FB0]  }
0x29: {  	s4 =	sld [smem:$0x3FB2]  }
0x2a: {  	p0 =	seq.s32 s5, $0x0;
	s5 =	sld [smem:$0x3FB3]  }
0x2b: {  	s6 =	sld [smem:$0x3FB4]  }
0x2c: {  	s7 =	sld [smem:$0x3FB5]  }
0x2d: {  	s3 =	simm.s32 $0x108;
	s8 =	sld [smem:$0x3FB6]  }
0x2e: {  	s3 =	simm.s32 @!p0 $0x1082;
	s9 =	sld [smem:$0x3FB7]  }
0x2f: {  	lr =	sadd.s32 s0, s3;
	s0 =	sld [smem:$0x3FAE]  }
0x30: {  	s3 =	sld [smem:$0x3FB1]  }
0x31: {  	[smem:$0x3FBA] =	sst s10  }
0x32: {  	s10 =	sld [smem:$0x3FB8];
	_ =	sdelay $0x3  }
0x33: {  	p0 =	seq.s32 s10, $0x1;
	s10 =	sld [smem:$0x3FBA];
	_ =	sdelay $0x3  }
0x34: {  	[smem:$0x3FBA] =	sst s10  }
0x35: {  	s10 =	sld [smem:$0x3FB9];
	_ =	sdelay $0x3  }
0x36: {  	p1 =	seq.s32 s10, $0x1;
	s10 =	sld [smem:$0x3FBA];
	_ =	sdelay $0x3  }
0x37: {  	[smem:$0x3FBA] =	sst s10  }
0x38: {  	s10 =	sld [smem:$0x3FBB]  }
0x39: {  	_ = 	snop;
	(pc) =	sbr.ind lr, $3  }
0x3a: {  	_ = 	snop  }
0x3b: {  	_ = 	snop  }
0x3c: {  	p2 =	seq.s32 s10, $0x1;
	s10 =	sld [smem:$0x3FBA]  }
0x3d: {  	_ =	shalt  }
0x3e: {  	_ =	shalt  }
0x3f: {  	_ =	shalt  }
0x40: {  	_ =	shalt  }
0x41: {  	_ =	shalt  }
0x42: {  	_ =	shalt  }
0x43: {  	_ =	shalt  }
0x44: {  	_ =	shalt  }
0x45: {  	_ =	shalt  }
0x46: {  	_ =	shalt  }
0x47: {  	_ =	shalt  }
0x48: {  	_ =	shalt  }
0x49: {  	_ =	shalt  }
0x4a: {  	_ =	shalt  }
0x4b: {  	_ =	shalt  }
0x4c: {  	_ =	shalt  }
0x4d: {  	_ =	shalt  }
0x4e: {  	_ =	shalt  }
0x4f: {  	_ =	shalt  }
0x50: {  	_ =	shalt  }
0x51: {  	_ =	shalt  }
0x52: {  	_ =	shalt  }
0x53: {  	_ =	shalt  }
0x54: {  	_ =	shalt  }
0x55: {  	_ =	shalt  }
0x56: {  	_ =	shalt  }
0x57: {  	_ =	shalt  }
0x58: {  	_ =	shalt  }
0x59: {  	_ =	shalt  }
0x5a: {  	_ =	shalt  }
0x5b: {  	_ =	shalt  }
0x5c: {  	_ =	shalt  }
0x5d: {  	_ =	shalt  }
0x5e: {  	_ =	shalt  }
0x5f: {  	_ =	shalt  }
0x60: {  	_ =	shalt  }
0x61: {  	_ =	shalt  }
0x62: {  	_ =	shalt  }
0x63: {  	_ =	shalt  }
0x64: {  	_ =	shalt  }
0x65: {  	_ =	shalt  }
0x66: {  	_ =	shalt  }
0x67: {  	_ =	shalt  }
0x68: {  	_ =	shalt  }
0x69: {  	_ =	shalt  }
0x6a: {  	_ =	shalt  }
0x6b: {  	_ =	shalt  }
0x6c: {  	_ =	shalt  }
0x6d: {  	_ =	shalt  }
0x6e: {  	_ =	shalt  }
0x6f: {  	_ =	shalt  }
0x70: {  	_ =	shalt  }
0x71: {  	_ =	shalt  }
0x72: {  	_ =	shalt  }
0x73: {  	_ =	shalt  }
0x74: {  	_ =	shalt  }
0x75: {  	_ =	shalt  }
0x76: {  	_ =	shalt  }
0x77: {  	_ =	shalt  }
0x78: {  	_ =	shalt  }
0x79: {  	_ =	shalt  }
0x7a: {  	_ =	shalt  }
0x7b: {  	_ =	shalt  }
0x7c: {  	_ =	shalt  }
0x7d: {  	_ =	shalt  }
0x7e: {  	_ =	shalt  }
0x7f: {  	_ =	shalt  }
0x80: {  	_ =	shalt  }
0x81: {  	_ =	shalt  }
0x82: {  	_ =	shalt  }
0x83: {  	_ =	shalt  }
0x84: {  	_ =	shalt  }
0x85: {  	_ =	shalt  }
0x86: {  	_ =	shalt  }
0x87: {  	_ =	shalt  }
.Lfunc_end0:
.L_simem_size_0:
called_computation_lowered:
.L_overlay_start_0:
0x88: {  	s0 =	sld [smem:$0x3FD9]  }
0x89: {  	s1 =	sld [smem:$0x3FFE];
	_ =	sdelay $0x3  }
0x8a: {  	s0 =	sadd.s32 s1, s0  }
0x8b: {  	[smem:$0x3FC6] =	sst s0  }
0x8c: {  	_ = 	snop  }
0x8d: {  	s0 =	sld [smem:$0x3FC9]  }
0x8e: {  	s16 =	sld [smem:$0x3FD0];
	(tm) =	ssettm $0x1  }
0x8f: {  	s2 =	sld [smem:$0x3FFB];
	_ =	sdelay $0x3  }
0x90: {  	_ =	strace s2  }
0x91: {  	s2 =	sld [smem:$0x3FFC];
	_ =	sdelay $0x3  }
0x92: {  	_ =	strace s2  }
0x93: {  	s2 =	sld [smem:$0x3FFD];
	_ =	sdelay $0x3  }
0x94: {  	_ =	strace s2  }
0x95: {  	_ =	strace $0x8FFFFFFF  }
0x96: {  	s17 =	sld [smem:$0x3FDB];
	_ =	sdelay $0x1  }
0x97: {  	s3 =	simm.s32 $_scs_section_size  }
0x98: {  	s4 =	simm.s32 $_size__tile_overlayer_lowered;
	s5 =	simm.s32 $_tile_overlayer_lowered  }
0x99: {  	s20 =	simm.s32 $0x1BFF;
	s19 =	sshll.u32 s5, $0x1;
	s2 =	sadd.s32 s3, s17  }
0x9a: {  	s6 =	simm.s32 $0x0;
	s18 =	sshll.u32 s4, $0x1;
	s4 =	sadd.s32 s19, s2  }
0x9b: {  	[timem:s6], [sflag:s20] =	dma.local [hbm:s4], s18  }
0x9c: {  	_ =	swait.ge [sflag:s20], s18  }
0x9d: {  	s3 =	ssub.s32 $0x0, s18;
	[sflag:s20] =	ssyncset.done $0x0  }
0x9e: {  	[sflag:s20] =	ssyncadd.s32 s3;
	_ =	sdelay $0x1  }
0x9f: {  	s21 =	simm.s32 $0x1B8B  }
0xa0: {  	_ =	swait.ge [sflag:s21], $0x1  }
0xa1: {  	[sflag:s21] =	ssyncset.done $0x0  }
0xa2: {  	s23 =	simm.s32 $0x1B8E;
	s22 =	sld [smem:$0x3FFE];
	[sflag:s21] =	ssyncadd.s32 $0xFFFFFFFF  }
0xa3: {  	s24 =	simm.s32 $execute0_lowered;
	[smem:$0x3FD2] =	sst s23  }
0xa4: {  	s4 =	sshll.u32 s24, $0x1;
	_ =	strace $0x80000046;
	[dreg:$0x1] =	wrdreg $0xFFFFFFFF  }
0xa5: {  	s25 =	simm.s32 $_size_execute0_lowered;
	s2 =	sadd.s32 s2, s4;
	[dreg:$0x0] =	wrdreg $0x0  }
0xa6: {  	s4 =	sshll.u32 s25, $0x1;
	[dreg:$0x2] =	wrdreg s2  }
0xa7: {  	[dreg:$0x3] =	wrdreg s4  }
0xa8: {  	[dreg:$0x4] =	wrdreg $0xC0  }
0xa9: {  	_ =	task [dreg:s6], $0x5FFFF  }
0xaa: {  	[dreg:$0x1] =	wrdreg $0xFFFFFFFF  }
0xab: {  	[dreg:$0x0] =	wrdreg $0x60  }
0xac: {  	[dreg:$0x2] =	wrdreg s0  }
0xad: {  	[dreg:$0x3] =	wrdreg s22  }
0xae: {  	[dreg:$0x4] =	wrdreg s16  }
0xaf: {  	[dreg:$0x5] =	wrdreg $0x9  }
0xb0: {  	_ =	task.clear_ibuf [dreg:s6], $0x6FFFF;
	_ =	strace $0x90000046  }
0xb1: {  	s26 =	simm.s32 $0x9;
	_ =	strace $0x80000048  }
0xb2: {  	_ =	swait.ge [sflag:s26], $0x1  }
0xb3: {  	[sflag:s26] =	ssyncadd.s32 $0xFFFFFFFF  }
0xb4: {  	_ =	strace $0x90000048  }
0xb5: {  	_ =	sfence  }
0xb6: {  	s28 =	sld [smem:$0x0];
	_ =	sdelay $0x1  }
0xb7: {  	s29 =	srdreg.scid  }
0xb8: {  	s30 =	sshll.u32 s29, $0xD;
	s31 =	sshrl.u32 s29, $0x2  }
0xb9: {  	s1 =	sand.u32 $0x1, s29;
	s2 =	sand.u32 $0x4000, s30;
	s0 =	sadd.s32 s31, s28  }
0xba: {  	s1 =	sor.u32 s2, s1;
	s0 =	sshll.u32 s0, $0x11  }
0xbb: {  	s0 =	sor.u32 s0, s1  }
0xbc: {  	s0 =	sadd.s32 $0x8F2B, s0  }
0xbd: {  	[sflag:s0] =	ssyncadd.remote.s32 $0x1  }
0xbe: {  	_ =	sfence.sel $0xFFFF  }
0xbf: {  	[dreg:$0x0] =	wrdreg $0xFFFFFFFF;
	(pc) =	sbr.abs _section_cstart, $3  }
0xc0: {  	[dreg:$0x1] =	wrdreg $0xFFFFFFFF  }
0xc1: {  	_ =	task.clear_ibuf [dreg:s6], $0x2FFFF;
	_ =	strace $0x9FFFFFFF  }
0xc2: {  	(tm) =	ssettm $0x7FFFFFFF  }
0xc3: {  	_ =	shalt  }
tec
execute0_lowered:
.L_overlay_start_1:
0x0: {  	(tag) =	ssettag $0x1  }
0x1: {  	s3 =	rddreg [dreg:$0x0]  }
0x2: {  	s4 =	rddreg [dreg:$0x1];
	v0 =	vimm.s32 $0xEEE4DAD0  }
0x3: {  	s2 =	rddreg [dreg:$0x2];
	s5 =	simm.s32 $0x0;
	s1 =	stileid.u32;
	v48 =	vimm.s32 $0x968C82F8;
	v3 =	vimm.s32 $0x9E948A80;
	v4 =	vimm.s32 $0xC6BCB2A8  }
0x4: {  	v6 =	vimm.s32 $0x160C0278;
	v8 =	vimm.s32 $0x1E140A00;
	[smem:$0x7FF] =	sst s5;
	s6 =	sshll.u32 s1, $0x7  }
0x5: {  	s0 =	rddreg [dreg:$0x3];
	v9 =	vimm.s32 $0x6F655B51;
	v11 =	vimm.s32 $0x1F150B01;
	_ =	strace $0x80000047;
	s3 =	sadd.s32 s3, s6  }
0x6: {  	v13 =	vimm.s32 $0x20160C02;
	[tilespmem:s5], [sflag:$0x1] =	stream.linear.gather [hbm4b:s3+s5], $0x400, $0x38;
	[tilespmem:$0x2D80] =	vst v63  }
0x7: {  	s19 =	simm.s32 $0x1;
	v14 =	vimm.s32 $0x483E342A;
	v19 =	vimm.s32 $0x71675D53;
	s4 =	sadd.s32 $0x400, s4;
	s3 =	simm.s32 $0x400  }
0x8: {  	v1 =	vlaneseq.u32;
	vm0 =	vcmask $0x1F10;
	v21 =	vimm.s32 $0x190F057B;
	[tilespmem:s3], [sflag:$0x2] =	stream.linear.gather [hbm4b:s4+s5], $0x180, $0x38;
	[tilespmem:$0x2D80] =	vst v63  }
0x9: {  	v52 =	vimm.s32 $0x21170D03;
	v2 =	vunpack.c.0.s8.s32 v0;
	v5 =	vunpack.c.0.s8.s32 v48;
	_ =	swait.ge [sflag:s19], $0x400  }
0xa: {  	v53 =	vimm.s32 $0x493F352B;
	v54 =	vimm.s32 $0x72685E54;
	v6 =	vunpack.c.0.s8.s32 v6;
	[sflag:s19] =	ssyncset.done $0x0  }
0xb: {  	s20 =	simm.s32 $0x2;
	v18 =	vunpack.c.0.s8.s32 v8;
	v49 =	vsel vm0, v5, v2;
	v5 =	vimm.s32 $0x6E645A50;
	[sflag:s19] =	ssyncadd.s32 $0xFFFFFC00  }
0xc: {  	v8 =	vunpack.c.0.s8.s32 v9;
	v7 =	vunpack.c.0.s8.s32 v5;
	v5 =	vimm.s32 $0x463C3228;
	_ =	swait.ge [sflag:s20], $0x180  }
0xd: {  	v9 =	vimm.s32 $0x473D3329;
	v10 =	vunpack.c.0.s8.s32 v5;
	v5 =	vimm.s32 $0x170D0379;
	[sflag:s20] =	ssyncset.done $0x0  }
0xe: {  	s21 =	simm.s32 $0x40;
	v20 =	vunpack.c.0.s8.s32 v11;
	v9 =	vunpack.c.0.s8.s32 v9;
	v12 =	vunpack.c.0.s8.s32 v5;
	[sflag:s20] =	ssyncadd.s32 $0xFFFFFE80  }
0xf: {  	v11 =	vimm.s32 $0x180E047A;
	v6 =	vsel vm0, v6, v7;
	v7 =	vsel vm0, v10, v18;
	v10 =	vld [tilespmem:s21+$0x30]  }
0x10: {  	v6 =	vcombine.low v7, v6;
	v7 =	vsel vm0, v12, v8;
	v8 =	vsel vm0, v9, v20;
	v9 =	vld [tilespmem:s21+$0xFFFFFFD0]  }
0x11: {  	v13 =	vunpack.c.0.s8.s32 v13;
	v7 =	vcombine.low v8, v7;
	v8 =	vimm.s32 $0x70665C52;
	v51 =	vld [tilespmem:s21+$0xFFFFFFE0]  }
0x12: {  	v14 =	vunpack.c.0.s8.s32 v14;
	v11 =	vunpack.c.0.s8.s32 v11;
	v8 =	vunpack.c.0.s8.s32 v8;
	v15 =	vld [tilespmem:s21+$0xFFFFFFF0]  }
0x13: {  	v55 =	vimm.s32 $0x1A10067C;
	v61 =	vimm.s32 $0x22180E04;
	v3 =	vunpack.c.0.s8.s32 v3;
	v16 =	vld [tilespmem:s21+$0x0]  }
0x14: {  	v24 =	vld [tilespmem:s21+$0x10];
	v8 =	vsel vm0, v11, v8;
	v11 =	vsel vm0, v14, v13;
	v17 =	vmul.u32 $0x64, v10  }
0x15: {  	v8 =	vcombine.low v11, v8;
	v11 =	vld [tilespmem:s21+$0xFFFFFFC0];
	v10 =	vunpack.c.0.s8.s32 v19;
	v19 =	vmul.u32 $0x64, v9  }
0x16: {  	v4 =	vunpack.c.0.s8.s32 v4;
	v0 =	vmul.u32 $0xA, v1;
	v9 =	vld [tilespmem:s21+$0x20];
	v25 =	vmul.u32 $0x64, v51  }
0x17: {  	v47 =	vimm.s32 $0x1B11077D;
	v21 =	vunpack.c.0.s8.s32 v21;
	v23 =	vmul.u32 $0x64, v15  }
0x18: {  	v50 =	vsel vm0, v4, v3;
	v2 =	vor.u32 $0x1, v0;
	v22 =	vmul.u32 $0x64, v16  }
0x19: {  	s22 =	simm.s32 $0x460;
	v3 =	vadd.s32 $0x2, v0;
	v4 =	vadd.s32 $0x3, v0;
	v24 =	vmul.u32 $0x64, v24  }
0x1a: {  	v28 =	vadd.s32 s22, v0;
	v12 =	vunpack.c.0.s8.s32 v52;
	v26 =	vmul.u32 $0x64, v11;
	v56 =	vld.idx.msk [tilespmem:v17+s3+$0x0], $0xffff  }
0x1b: {  	s8 =	simm.s32 $0xA0;
	s11 =	simm.s32 $0x140;
	s9 =	simm.s32 $0x1E0;
	v13 =	vunpack.c.0.s8.s32 v53;
	v10 =	vsel vm0, v21, v10;
	v21 =	vmul.u32 $0x64, v9;
	v27 =	vld.idx.msk [tilespmem:v19+s3+$0x0], $0xffff  }
0x1c: {  	s7 =	simm.s32 $0x320;
	v59 =	vadd.s32 s8, v0;
	v30 =	vadd.s32 s11, v0;
	v34 =	vadd.s32 s9, v0;
	v11 =	vld.idx.msk [tilespmem:v25+s3+$0x0], $0xffff  }
0x1d: {  	s10 =	simm.s32 $0x280;
	v38 =	vadd.s32 s7, v0;
	v57 =	vor.u32 $0x1, v17;
	v9 =	vsel vm0, v13, v12;
	v60 =	vld.idx.msk [tilespmem:v23+s3+$0x0], $0xffff  }
0x1e: {  	v29 =	vor.u32 $0x1, v19;
	v9 =	vcombine.low v9, v10;
	v10 =	vadd.s32 s10, v0;
	v31 =	vld.idx.msk [tilespmem:v22+s3+$0x0], $0xffff  }
0x1f: {  	s12 =	simm.s32 $0x0;
	v1 =	vcombine.low v50, v49;
	s4 =	simm.s32 $0x580;
	v32 =	vor.u32 $0x1, v25;
	v35 =	vld.idx.msk [tilespmem:v24+s3+$0x0], $0xffff;
	v33 =	vand.u32 $0xFF80, v10  }
0x20: {  	s23 =	simm.s32 $0x3C0;
	v40 =	vor.u32 s12, v0;
	v36 =	vor.u32 $0x1, v23;
	v41 =	vld.idx.msk [tilespmem:v26+s3+$0x0], $0xffff;
	v33 =	vor.u32 v6, v33;
	[tilespmem:v28+s4+$0x0] =	vst.idx.msk $0xffff, v56  }
0x21: {  	v42 =	vadd.s32 s23, v0;
	v39 =	vor.u32 $0x1, v24;
	v37 =	vld.idx.msk [tilespmem:v21+s3+$0x0], $0xffff;
	[tilespmem:v59+s4+$0x0] =	vst.idx.msk $0xffff, v27;
	v27 =	vand.u32 v1, v40  }
0x22: {  	v62 =	vadd.s32 s22, v2;
	v43 =	vadd.s32 s8, v2;
	v28 =	vor.u32 $0x1, v22;
	[tilespmem:v30+s4+$0x0] =	vst.idx.msk $0xffff, v11;
	v12 =	vld.idx.msk [tilespmem:v57+s3+$0x0], $0xffff  }
0x23: {  	v14 =	vunpack.c.0.s8.s32 v54;
	v15 =	vunpack.c.0.s8.s32 v55;
	v63 =	vor.u32 $0x1, v26;
	[tilespmem:v34+s4+$0x0] =	vst.idx.msk $0xffff, v60;
	v29 =	vld.idx.msk [tilespmem:v29+s3+$0x0], $0xffff  }
0x24: {  	v50 =	vadd.s32 s11, v2;
	v44 =	vadd.s32 s9, v2;
	v49 =	vor.u32 $0x1, v21;
	[tilespmem:v38+s4+$0x0] =	vst.idx.msk $0xffff, v35;
	v32 =	vld.idx.msk [tilespmem:v32+s3+$0x0], $0xffff  }
0x25: {  	v58 =	vsel vm0, v15, v14;
	v30 =	vor.u32 $0x2, v17;
	v11 =	vimm.s32 $0x4A40362C;
	v36 =	vld.idx.msk [tilespmem:v36+s3+$0x0], $0xffff;
	[tilespmem:v33+s4+$0x0] =	vst.idx.msk $0xffff, v31  }
0x26: {  	v48 =	vunpack.c.0.s8.s32 v11;
	v11 =	vadd.s32 s10, v2;
	v39 =	vld.idx.msk [tilespmem:v39+s3+$0x0], $0xffff;
	v31 =	vor.u32 $0x2, v19;
	[tilespmem:v27+s4+$0x0] =	vst.idx.msk $0xffff, v41  }
0x27: {  	v51 =	vor.u32 $0x2, v25;
	v60 =	vadd.s32 s7, v2;
	v52 =	vand.u32 $0xFF80, v11;
	v28 =	vld.idx.msk [tilespmem:v28+s3+$0x0], $0xffff;
	[tilespmem:v42+s4+$0x0] =	vst.idx.msk $0xffff, v37  }
0x28: {  	v16 =	vunpack.c.0.s8.s32 v61;
	v53 =	vor.u32 $0x2, v23;
	v38 =	vor.u32 v7, v52;
	[tilespmem:v62+s4+$0x0] =	vst.idx.msk $0xffff, v12;
	v56 =	vld.idx.msk [tilespmem:v63+s3+$0x0], $0xffff  }
0x29: {  	v55 =	vor.u32 $0x2, v22;
	v45 =	vor.u32 $0x3, v22;
	v57 =	vor.u32 s12, v2;
	[tilespmem:v43+s4+$0x0] =	vst.idx.msk $0xffff, v29;
	v29 =	vld.idx.msk [tilespmem:v49+s3+$0x0], $0xffff  }
0x2a: {  	v61 =	vor.u32 $0x2, v26;
	[tilespmem:v50+s4+$0x0] =	vst.idx.msk $0xffff, v32;
	v62 =	vadd.s32 s23, v2;
	v63 =	vor.u32 $0x2, v24;
	v27 =	vld.idx.msk [tilespmem:v30+s3+$0x0], $0xffff  }
0x2b: {  	v54 =	vsel vm0, v48, v16;
	v48 =	vor.u32 $0x2, v21;
	[tilespmem:v44+s4+$0x0] =	vst.idx.msk $0xffff, v36;
	v30 =	vadd.s32 s22, v3;
	v31 =	vld.idx.msk [tilespmem:v31+s3+$0x0], $0xffff  }
0x2c: {  	v12 =	vcombine.low v54, v58;
	v49 =	vadd.s32 s8, v3;
	v54 =	vadd.s32 s10, v3;
	[tilespmem:v60+s4+$0x0] =	vst.idx.msk $0xffff, v39;
	v35 =	vld.idx.msk [tilespmem:v51+s3+$0x0], $0xffff  }
0x2d: {  	v58 =	vor.u32 $0x3, v17;
	v50 =	vadd.s32 s11, v3;
	v14 =	vld.idx.msk [tilespmem:v53+s3+$0x0], $0xffff;
	v16 =	vand.u32 $0xFF80, v54;
	[tilespmem:v38+s4+$0x0] =	vst.idx.msk $0xffff, v28  }
0x2e: {  	v59 =	vimm.s32 $0x73695F55;
	v51 =	vor.u32 $0x3, v19;
	v16 =	vor.u32 v8, v16;
	v15 =	vld.idx.msk [tilespmem:v55+s3+$0x0], $0xffff;
	[tilespmem:v57+s4+$0x0] =	vst.idx.msk $0xffff, v56  }
0x2f: {  	v52 =	vor.u32 $0x3, v25;
	v32 =	vunpack.c.0.s8.s32 v59;
	v60 =	vadd.s32 s7, v3;
	v37 =	vld.idx.msk [tilespmem:v63+s3+$0x0], $0xffff;
	[tilespmem:v62+s4+$0x0] =	vst.idx.msk $0xffff, v29  }
0x30: {  	v59 =	vimm.s32 $0x4B41372D;
	v56 =	vadd.s32 s22, v4;
	[tilespmem:v30+s4+$0x0] =	vst.idx.msk $0xffff, v27;
	v30 =	vadd.s32 s9, v3;
	v41 =	vld.idx.msk [tilespmem:v61+s3+$0x0], $0xffff  }
0x31: {  	v57 =	vor.u32 s12, v3;
	v63 =	vor.u32 $0x3, v24;
	v27 =	vimm.s32 $0x23190F05;
	[tilespmem:v49+s4+$0x0] =	vst.idx.msk $0xffff, v31;
	v31 =	vld.idx.msk [tilespmem:v48+s3+$0x0], $0xffff  }
0x32: {  	[tilespmem:v50+s4+$0x0] =	vst.idx.msk $0xffff, v35;
	v61 =	vunpack.c.0.s8.s32 v59;
	v53 =	vld.idx.msk [tilespmem:v58+s3+$0x0], $0xffff;
	v27 =	vunpack.c.0.s8.s32 v27;
	v58 =	vor.u32 $0x3, v26  }
0x33: {  	v28 =	vunpack.c.0.s8.s32 v47;
	v55 =	vor.u32 $0x3, v23;
	v62 =	vadd.s32 s23, v3;
	v38 =	vld.idx.msk [tilespmem:v51+s3+$0x0], $0xffff;
	[tilespmem:v16+s4+$0x0] =	vst.idx.msk $0xffff, v15  }
0x34: {  	v29 =	vadd.s32 $0x4, v17;
	v44 =	vld.idx.msk [tilespmem:v52+s3+$0x0], $0xffff;
	v49 =	vsel vm0, v61, v27;
	v27 =	vadd.s32 s11, v4;
	[tilespmem:v60+s4+$0x0] =	vst.idx.msk $0xffff, v37  }
0x35: {  	v48 =	vsel vm0, v28, v32;
	v28 =	vor.u32 $0x3, v21;
	[tilespmem:v30+s4+$0x0] =	vst.idx.msk $0xffff, v14;
	v30 =	vadd.s32 s8, v4;
	v39 =	vld.idx.msk [tilespmem:v45+s3+$0x0], $0xffff  }
0x36: {  	v5 =	vadd.s32 $0x4, v0;
	v51 =	vadd.s32 $0x4, v25;
	v60 =	vadd.s32 s7, v4;
	[tilespmem:v57+s4+$0x0] =	vst.idx.msk $0xffff, v41;
	v42 =	vld.idx.msk [tilespmem:v63+s3+$0x0], $0xffff  }
0x37: {  	v46 =	vadd.s32 s11, v5;
	v50 =	vadd.s32 $0x4, v19;
	[tilespmem:v56+s4+$0x0] =	vst.idx.msk $0xffff, v53;
	v33 =	vld.idx.msk [tilespmem:v58+s3+$0x0], $0xffff;
	v53 =	vor.u32 s12, v4  }
0x38: {  	v54 =	vadd.s32 s10, v4;
	[tilespmem:v62+s4+$0x0] =	vst.idx.msk $0xffff, v31;
	v62 =	vadd.s32 $0x4, v24;
	v32 =	vld.idx.msk [tilespmem:v55+s3+$0x0], $0xffff;
	v58 =	vadd.s32 s9, v4  }
0x39: {  	v52 =	vadd.s32 s22, v5;
	v57 =	vand.u32 $0xFF80, v54;
	v56 =	vadd.s32 $0x4, v26;
	v29 =	vld.idx.msk [tilespmem:v29+s3+$0x0], $0xffff;
	[tilespmem:v27+s4+$0x0] =	vst.idx.msk $0xffff, v44  }
0x3a: {  	v10 =	vadd.s32 $0x5, v0;
	v55 =	vadd.s32 $0x5, v17;
	v31 =	vor.u32 v9, v57;
	v28 =	vld.idx.msk [tilespmem:v28+s3+$0x0], $0xffff;
	[tilespmem:v30+s4+$0x0] =	vst.idx.msk $0xffff, v38  }
0x3b: {  	v47 =	vadd.s32 $0x5, v26;
	v59 =	vadd.s32 $0x4, v23;
	v35 =	vld.idx.msk [tilespmem:v51+s3+$0x0], $0xffff;
	v30 =	vimm.s32 $0x746A6056;
	[tilespmem:v60+s4+$0x0] =	vst.idx.msk $0xffff, v42  }
0x3c: {  	v61 =	vadd.s32 $0x4, v22;
	v34 =	vld.idx.msk [tilespmem:v50+s3+$0x0], $0xffff;
	v27 =	vunpack.c.0.s8.s32 v30;
	v30 =	vadd.s32 s23, v4;
	[tilespmem:v53+s4+$0x0] =	vst.idx.msk $0xffff, v33  }
0x3d: {  	v13 =	vcombine.low v49, v48;
	v48 =	vadd.s32 s8, v5;
	[tilespmem:v58+s4+$0x0] =	vst.idx.msk $0xffff, v32;
	v58 =	vadd.s32 $0x5, v25;
	v44 =	vld.idx.msk [tilespmem:v62+s3+$0x0], $0xffff  }
0x3e: {  	v63 =	vimm.s32 $0x1C12087E;
	v54 =	vor.u32 s12, v5;
	[tilespmem:v52+s4+$0x0] =	vst.idx.msk $0xffff, v29;
	v29 =	vadd.s32 $0x4, v21;
	v51 =	vld.idx.msk [tilespmem:v56+s3+$0x0], $0xffff  }
0x3f: {  	v15 =	vunpack.c.0.s8.s32 v63;
	v50 =	vadd.s32 $0x5, v19;
	[tilespmem:v31+s4+$0x0] =	vst.idx.msk $0xffff, v39;
	v52 =	vadd.s32 s22, v10;
	v49 =	vld.idx.msk [tilespmem:v55+s3+$0x0], $0xffff  }
0x40: {  	v57 =	vadd.s32 s9, v5;
	v60 =	vimm.s32 $0x4C42382E;
	v36 =	vld.idx.msk [tilespmem:v59+s3+$0x0], $0xffff;
	v55 =	vadd.s32 s10, v5;
	[tilespmem:v46+s4+$0x0] =	vst.idx.msk $0xffff, v35  }
0x41: {  	v53 =	vimm.s32 $0x241A1006;
	v41 =	vld.idx.msk [tilespmem:v61+s3+$0x0], $0xffff;
	v59 =	vadd.s32 $0x5, v23;
	v56 =	vand.u32 $0xFF80, v55;
	[tilespmem:v30+s4+$0x0] =	vst.idx.msk $0xffff, v28  }
0x42: {  	v31 =	vadd.s32 $0x6, v17;
	v62 =	vadd.s32 $0x5, v22;
	v30 =	vor.u32 v12, v56;
	[tilespmem:v48+s4+$0x0] =	vst.idx.msk $0xffff, v34;
	v42 =	vld.idx.msk [tilespmem:v58+s3+$0x0], $0xffff  }
0x43: {  	v63 =	vunpack.c.0.s8.s32 v60;
	v61 =	vadd.s32 s7, v5;
	v28 =	vunpack.c.0.s8.s32 v53;
	v29 =	vld.idx.msk [tilespmem:v29+s3+$0x0], $0xffff;
	[tilespmem:v54+s4+$0x0] =	vst.idx.msk $0xffff, v51  }
0x44: {  	v15 =	vsel vm0, v15, v27;
	v48 =	vadd.s32 s23, v5;
	v33 =	vld.idx.msk [tilespmem:v50+s3+$0x0], $0xffff;
	[tilespmem:v52+s4+$0x0] =	vst.idx.msk $0xffff, v49;
	v49 =	vadd.s32 $0x5, v24  }
0x45: {  	v27 =	vadd.s32 $0x5, v21;
	[tilespmem:v57+s4+$0x0] =	vst.idx.msk $0xffff, v36;
	v37 =	vld.idx.msk [tilespmem:v47+s3+$0x0], $0xffff;
	v16 =	vsel vm0, v63, v28;
	v28 =	vor.u32 s12, v10  }
0x46: {  	v11 =	vadd.s32 $0x6, v0;
	v53 =	vadd.s32 $0x6, v26;
	v52 =	vadd.s32 s8, v10;
	v38 =	vld.idx.msk [tilespmem:v59+s3+$0x0], $0xffff  }
0x47: {  	v55 =	vadd.s32 $0x6, v19;
	v50 =	vadd.s32 s22, v11;
	v31 =	vld.idx.msk [tilespmem:v31+s3+$0x0], $0xffff;
	[tilespmem:v30+s4+$0x0] =	vst.idx.msk $0xffff, v41  }
0x48: {  	v51 =	vadd.s32 $0x7, v17;
	v54 =	vadd.s32 s10, v10;
	[tilespmem:v61+s4+$0x0] =	vst.idx.msk $0xffff, v44;
	v57 =	vadd.s32 s9, v10;
	v45 =	vld.idx.msk [tilespmem:v62+s3+$0x0], $0xffff  }
0x49: {  	v56 =	vand.u32 $0xFF80, v54;
	v59 =	vadd.s32 $0x6, v23;
	v30 =	vadd.s32 s11, v10;
	[tilespmem:v48+s4+$0x0] =	vst.idx.msk $0xffff, v29;
	v34 =	vld.idx.msk [tilespmem:v49+s3+$0x0], $0xffff  }
0x4a: {  	v58 =	vadd.s32 $0x6, v25;
	v29 =	vor.u32 v13, v56;
	v27 =	vld.idx.msk [tilespmem:v27+s3+$0x0], $0xffff;
	[tilespmem:v28+s4+$0x0] =	vst.idx.msk $0xffff, v37  }
0x4b: {  	v14 =	vadd.s32 $0x7, v0;
	v60 =	vadd.s32 s7, v10;
	v61 =	vadd.s32 $0x6, v22;
	[tilespmem:v52+s4+$0x0] =	vst.idx.msk $0xffff, v33;
	v37 =	vld.idx.msk [tilespmem:v53+s3+$0x0], $0xffff  }
0x4c: {  	v63 =	vadd.s32 s22, v14;
	v62 =	vadd.s32 $0x6, v24;
	v49 =	vadd.s32 s23, v10;
	[tilespmem:v50+s4+$0x0] =	vst.idx.msk $0xffff, v31;
	v41 =	vld.idx.msk [tilespmem:v55+s3+$0x0], $0xffff  }
0x4d: {  	v54 =	vadd.s32 s10, v11;
	[tilespmem:v57+s4+$0x0] =	vst.idx.msk $0xffff, v38;
	v53 =	vadd.s32 s8, v11;
	v28 =	vld.idx.msk [tilespmem:v51+s3+$0x0], $0xffff;
	v51 =	vadd.s32 $0x6, v21  }
0x4e: {  	v15 =	vcombine.low v16, v15;
	v16 =	vadd.s32 $0x8, v0;
	v56 =	vadd.s32 $0x7, v19;
	v32 =	vld.idx.msk [tilespmem:v59+s3+$0x0], $0xffff;
	[tilespmem:v30+s4+$0x0] =	vst.idx.msk $0xffff, v42  }
0x4f: {  	v48 =	vimm.s32 $0x1D13097F;
	v50 =	vor.u32 s12, v11;
	v30 =	vadd.s32 $0x8, v17;
	v46 =	vld.idx.msk [tilespmem:v58+s3+$0x0], $0xffff;
	[tilespmem:v29+s4+$0x0] =	vst.idx.msk $0xffff, v45  }
0x50: {  	v55 =	vadd.s32 s11, v11;
	v29 =	vadd.s32 $0x7, v26;
	v45 =	vand.u32 $0xFF80, v54;
	[tilespmem:v60+s4+$0x0] =	vst.idx.msk $0xffff, v34;
	v40 =	vld.idx.msk [tilespmem:v61+s3+$0x0], $0xffff  }
0x51: {  	v39 =	vunpack.c.0.s8.s32 v48;
	v57 =	vadd.s32 $0x7, v25;
	v45 =	vor.u32 v15, v45;
	[tilespmem:v49+s4+$0x0] =	vst.idx.msk $0xffff, v27;
	v36 =	vld.idx.msk [tilespmem:v62+s3+$0x0], $0xffff  }
0x52: {  	v31 =	vimm.s32 $0x756B6157;
	v59 =	vadd.s32 $0x7, v22;
	[tilespmem:v53+s4+$0x0] =	vst.idx.msk $0xffff, v41;
	v62 =	vadd.s32 s7, v11;
	v60 =	vld.idx.msk [tilespmem:v51+s3+$0x0], $0xffff  }
0x53: {  	v31 =	vunpack.c.0.s8.s32 v31;
	v49 =	vadd.s32 $0x7, v24;
	[tilespmem:v63+s4+$0x0] =	vst.idx.msk $0xffff, v28;
	v28 =	vadd.s32 s9, v11;
	v35 =	vld.idx.msk [tilespmem:v56+s3+$0x0], $0xffff  }
0x54: {  	v52 =	vimm.s32 $0x251B1107;
	v27 =	vadd.s32 $0x7, v23;
	v61 =	vadd.s32 s22, v16;
	[tilespmem:v50+s4+$0x0] =	vst.idx.msk $0xffff, v37;
	v30 =	vld.idx.msk [tilespmem:v30+s3+$0x0], $0xffff  }
0x55: {  	v48 =	vsel vm0, v39, v31;
	v31 =	vadd.s32 s23, v11;
	v63 =	vadd.s32 $0x9, v17;
	v29 =	vld.idx.msk [tilespmem:v29+s3+$0x0], $0xffff;
	[tilespmem:v55+s4+$0x0] =	vst.idx.msk $0xffff, v46  }
0x56: {  	v38 =	vunpack.c.0.s8.s32 v52;
	v52 =	vadd.s32 $0x7, v21;
	v51 =	vor.u32 s12, v14;
	v33 =	vld.idx.msk [tilespmem:v57+s3+$0x0], $0xffff;
	[tilespmem:v45+s4+$0x0] =	vst.idx.msk $0xffff, v40  }
0x57: {  	v58 =	vimm.s32 $0x4D43392F;
	v53 =	vadd.s32 $0x8, v26;
	v37 =	vld.idx.msk [tilespmem:v59+s3+$0x0], $0xffff;
	[tilespmem:v62+s4+$0x0] =	vst.idx.msk $0xffff, v36  }
0x58: {  	v43 =	vunpack.c.0.s8.s32 v58;
	v55 =	vadd.s32 s11, v14;
	[tilespmem:v28+s4+$0x0] =	vst.idx.msk $0xffff, v32;
	v39 =	vld.idx.msk [tilespmem:v49+s3+$0x0], $0xffff  }
0x59: {  	v58 =	vadd.s32 $0x8, v25;
	v28 =	vadd.s32 s8, v14;
	v27 =	vld.idx.msk [tilespmem:v27+s3+$0x0], $0xffff;
	[tilespmem:v61+s4+$0x0] =	vst.idx.msk $0xffff, v30  }
0x5a: {  	v50 =	vsel vm0, v43, v38;
	v56 =	vadd.s32 $0x8, v19;
	[tilespmem:v31+s4+$0x0] =	vst.idx.msk $0xffff, v60;
	v31 =	vadd.s32 s7, v14;
	v36 =	vld.idx.msk [tilespmem:v63+s3+$0x0], $0xffff  }
0x5b: {  	v54 =	vadd.s32 s10, v14;
	v17 =	vcombine.low v50, v48;
	v62 =	vadd.s32 $0x8, v24;
	[tilespmem:v51+s4+$0x0] =	vst.idx.msk $0xffff, v29;
	v29 =	vld.idx.msk [tilespmem:v52+s3+$0x0], $0xffff  }
0x5c: {  	s13 =	simm.s32 $0xC0;
	v57 =	vadd.s32 s9, v14;
	v30 =	vand.u32 $0xFF80, v54;
	v32 =	vld.idx.msk [tilespmem:v53+s3+$0x0], $0xffff  }
0x5d: {  	v59 =	vadd.s32 $0x8, v23;
	v30 =	vor.u32 v17, v30;
	[tilespmem:v55+s4+$0x0] =	vst.idx.msk $0xffff, v33;
	v55 =	vld [tilespmem:s13+$0xFFFFFFD0]  }
0x5e: {  	v60 =	vadd.s32 $0x8, v22;
	v61 =	vadd.s32 s23, v14;
	v40 =	vld.idx.msk [tilespmem:v58+s3+$0x0], $0xffff;
	[tilespmem:v28+s4+$0x0] =	vst.idx.msk $0xffff, v35  }
0x5f: {  	[tilespmem:v31+s4+$0x0] =	vst.idx.msk $0xffff, v39;
	v48 =	vld.idx.msk [tilespmem:v56+s3+$0x0], $0xffff  }
0x60: {  	v63 =	vadd.s32 $0x8, v21;
	v28 =	vor.u32 s12, v16;
	v31 =	vld.idx.msk [tilespmem:v62+s3+$0x0], $0xffff  }
0x61: {  	v25 =	vadd.s32 $0x9, v25;
	v26 =	vadd.s32 $0x9, v26;
	v49 =	vadd.s32 s8, v16;
	[tilespmem:v57+s4+$0x0] =	vst.idx.msk $0xffff, v27;
	v57 =	vld [tilespmem:s13+$0xFFFFFFE0]  }
0x62: {  	v19 =	vadd.s32 $0x9, v19;
	v50 =	vimm.s32 $0x261C1208;
	v51 =	vimm.s32 $0x4E443A30;
	v34 =	vld.idx.msk [tilespmem:v59+s3+$0x0], $0xffff;
	[tilespmem:v30+s4+$0x0] =	vst.idx.msk $0xffff, v37  }
0x63: {  	v52 =	vunpack.c.0.s8.s32 v50;
	v27 =	vadd.s32 s11, v16;
	[tilespmem:v61+s4+$0x0] =	vst.idx.msk $0xffff, v29;
	v29 =	vimm.s32 $0x766C6258;
	v30 =	vld.idx.msk [tilespmem:v60+s3+$0x0], $0xffff  }
0x64: {  	v53 =	vunpack.c.0.s8.s32 v51;
	v29 =	vunpack.c.0.s8.s32 v29;
	v60 =	vadd.s32 $0x9, v23;
	v23 =	vld [tilespmem:s13+$0xFFFFFFF0]  }
0x65: {  	v58 =	vimm.s32 $0x4F453B31;
	v56 =	vadd.s32 s9, v16;
	v62 =	vadd.s32 $0x9, v22;
	[tilespmem:v28+s4+$0x0] =	vst.idx.msk $0xffff, v32;
	v28 =	vld.idx.msk [tilespmem:v63+s3+$0x0], $0xffff  }
0x66: {  	v61 =	vadd.s32 s7, v16;
	v22 =	vmul.u32 $0x64, v55;
	v54 =	vsel vm0, v18, v29;
	v37 =	vld.idx.msk [tilespmem:v26+s3+$0x0], $0xffff;
	[tilespmem:v49+s4+$0x0] =	vst.idx.msk $0xffff, v48  }
0x67: {  	v18 =	vadd.s32 $0x9, v0;
	v29 =	vadd.s32 s10, v16;
	v26 =	vsel vm0, v53, v52;
	v33 =	vld.idx.msk [tilespmem:v19+s3+$0x0], $0xffff  }
0x68: {  	[tilespmem:v27+s4+$0x0] =	vst.idx.msk $0xffff, v40;
	v27 =	vimm.s32 $0x271D1309;
	v29 =	vand.u32 $0xFF80, v29;
	v19 =	vcombine.low v26, v54;
	v26 =	vld [tilespmem:s13+$0x30]  }
0x69: {  	v52 =	vadd.s32 $0x9, v24;
	v53 =	vadd.s32 s22, v18;
	v32 =	vld.idx.msk [tilespmem:v25+s3+$0x0], $0xffff;
	v25 =	vimm.s32 $0x776D6359  }
0x6a: {  	v63 =	vld [tilespmem:s13+$0x0];
	v40 =	vunpack.c.0.s8.s32 v58;
	v25 =	vunpack.c.0.s8.s32 v25;
	v59 =	vor.u32 v19, v29  }
0x6b: {  	v48 =	vld [tilespmem:s13+$0x10];
	v55 =	vor.u32 s12, v18;
	v24 =	vmul.u32 $0x64, v57;
	v27 =	vunpack.c.0.s8.s32 v27  }
0x6c: {  	v57 =	vadd.s32 s8, v18;
	v54 =	vld [tilespmem:s13+$0x20];
	[tilespmem:v56+s4+$0x0] =	vst.idx.msk $0xffff, v34;
	v23 =	vmul.u32 $0x64, v23;
	v20 =	vsel vm0, v20, v25  }
0x6d: {  	v56 =	vld [tilespmem:s13+$0xFFFFFFC0];
	[tilespmem:v61+s4+$0x0] =	vst.idx.msk $0xffff, v31;
	v25 =	vsel vm0, v40, v27;
	v29 =	vmul.u32 $0x64, v26;
	v26 =	vadd.s32 s23, v16  }
0x6e: {  	v58 =	vadd.s32 s11, v18;
	v27 =	vadd.s32 s10, v18;
	v20 =	vcombine.low v25, v20;
	[tilespmem:v53+s4+$0x0] =	vst.idx.msk $0xffff, v36;
	v61 =	vld.idx.msk [tilespmem:v52+s3+$0x0], $0xffff  }
0x6f: {  	v25 =	vmul.u32 $0x64, v63;
	[tilespmem:v59+s4+$0x0] =	vst.idx.msk $0xffff, v30;
	v30 =	vld.idx.msk [tilespmem:v60+s3+$0x0], $0xffff;
	v59 =	vand.u32 $0xFF80, v27;
	v60 =	vadd.s32 s9, v18  }
0x70: {  	[tilespmem:v55+s4+$0x0] =	vst.idx.msk $0xffff, v37;
	v27 =	vmul.u32 $0x64, v48;
	v31 =	vld.idx.msk [tilespmem:v62+s3+$0x0], $0xffff;
	v41 =	vor.u32 v20, v59  }
0x71: {  	v37 =	vld.idx.msk [tilespmem:v22+s3+$0x0], $0xffff;
	[tilespmem:v57+s4+$0x0] =	vst.idx.msk $0xffff, v33  }
0x72: {  	s24 =	simm.s32 $0x5A0;
	v49 =	vld.idx.msk [tilespmem:v24+s3+$0x0], $0xffff;
	v48 =	vadd.s32 s7, v18;
	[tilespmem:v26+s4+$0x0] =	vst.idx.msk $0xffff, v28;
	v26 =	vmul.u32 $0x64, v54  }
0x73: {  	s5 =	simm.s32 $0x960;
	v51 =	vadd.s32 s24, v0;
	[tilespmem:v58+s4+$0x0] =	vst.idx.msk $0xffff, v32;
	v52 =	vld.idx.msk [tilespmem:v23+s3+$0x0], $0xffff;
	v28 =	vmul.u32 $0x64, v56  }
0x74: {  	v63 =	vadd.s32 s5, v0;
	v62 =	vld.idx.msk [tilespmem:v29+s3+$0x0], $0xffff;
	[tilespmem:v60+s4+$0x0] =	vst.idx.msk $0xffff, v30  }
0x75: {  	s26 =	simm.s32 $0x640;
	v50 =	vor.u32 $0x1, v29;
	v55 =	vld.idx.msk [tilespmem:v25+s3+$0x0], $0xffff;
	[tilespmem:v41+s4+$0x0] =	vst.idx.msk $0xffff, v31  }
0x76: {  	s25 =	simm.s32 $0x780;
	s28 =	simm.s32 $0x6E0;
	v30 =	vadd.s32 s26, v0;
	v31 =	vld.idx.msk [tilespmem:v27+s3+$0x0], $0xffff;
	[tilespmem:$0x1FEB0] =	vst v6  }
0x77: {  	v57 =	vadd.s32 s28, v0;
	v54 =	vadd.s32 s25, v0;
	[tilespmem:v48+s4+$0x0] =	vst.idx.msk $0xffff, v61  }
0x78: {  	v53 =	vor.u32 $0x1, v22;
	v44 =	vand.u32 $0xFF80, v54;
	[tilespmem:v51+s4+$0x0] =	vst.idx.msk $0xffff, v37;
	v47 =	vld.idx.msk [tilespmem:v26+s3+$0x0], $0xffff  }
0x79: {  	s29 =	simm.s32 $0x820;
	v44 =	vor.u32 v6, v44;
	[tilespmem:v63+s4+$0x0] =	vst.idx.msk $0xffff, v62;
	v63 =	vld.idx.msk [tilespmem:v28+s3+$0x0], $0xffff  }
0x7a: {  	s30 =	simm.s32 $0x500;
	v56 =	vor.u32 $0x1, v24;
	v60 =	vadd.s32 s29, v0;
	v34 =	vld.idx.msk [tilespmem:v50+s3+$0x0], $0xffff;
	[tilespmem:$0x1FEC0] =	vst v1  }
0x7b: {  	v58 =	vor.u32 $0x1, v23;
	v48 =	vadd.s32 s5, v2;
	v62 =	vor.u32 s30, v0;
	[tilespmem:v30+s4+$0x0] =	vst.idx.msk $0xffff, v49  }
0x7c: {  	v59 =	vor.u32 $0x1, v25;
	v43 =	vand.u32 v1, v62;
	[tilespmem:v57+s4+$0x0] =	vst.idx.msk $0xffff, v52  }
0x7d: {  	s31 =	simm.s32 $0x8C0;
	v61 =	vor.u32 $0x1, v27;
	v39 =	vld.idx.msk [tilespmem:v53+s3+$0x0], $0xffff;
	[tilespmem:$0x1FED0] =	vst v0  }
0x7e: {  	v50 =	vadd.s32 s31, v0;
	v30 =	vor.u32 $0x2, v29;
	[tilespmem:v44+s4+$0x0] =	vst.idx.msk $0xffff, v55  }
0x7f: {  	v49 =	vor.u32 $0x1, v28;
	v52 =	vadd.s32 s24, v2;
	v45 =	vld.idx.msk [tilespmem:v56+s3+$0x0], $0xffff;
	[tilespmem:v60+s4+$0x0] =	vst.idx.msk $0xffff, v31  }
0x80: {  	v54 =	vadd.s32 s26, v2;
	v51 =	vor.u32 $0x1, v26;
	v41 =	vld.idx.msk [tilespmem:v58+s3+$0x0], $0xffff;
	[tilespmem:v48+s4+$0x0] =	vst.idx.msk $0xffff, v34  }
0x81: {  	v53 =	vor.u32 $0x2, v22;
	v31 =	vadd.s32 s25, v2;
	v35 =	vld.idx.msk [tilespmem:v59+s3+$0x0], $0xffff;
	[tilespmem:v43+s4+$0x0] =	vst.idx.msk $0xffff, v63  }
0x82: {  	v56 =	vadd.s32 s28, v2;
	v31 =	vand.u32 $0xFF80, v31;
	v36 =	vld.idx.msk [tilespmem:v61+s3+$0x0], $0xffff;
	[tilespmem:$0x1FEE0] =	vst v7  }
0x83: {  	v31 =	vor.u32 v7, v31;
	v30 =	vld.idx.msk [tilespmem:v30+s3+$0x0], $0xffff;
	[tilespmem:v50+s4+$0x0] =	vst.idx.msk $0xffff, v47  }
0x84: {  	v55 =	vor.u32 $0x2, v24;
	v63 =	vadd.s32 s29, v2;
	v33 =	vld.idx.msk [tilespmem:v49+s3+$0x0], $0xffff;
	[tilespmem:v52+s4+$0x0] =	vst.idx.msk $0xffff, v39  }
0x85: {  	v57 =	vor.u32 $0x2, v23;
	v59 =	vadd.s32 s5, v3;
	v61 =	vld.idx.msk [tilespmem:v51+s3+$0x0], $0xffff;
	[tilespmem:v54+s4+$0x0] =	vst.idx.msk $0xffff, v45  }
0x86: {  	v58 =	vor.u32 $0x2, v25;
	v60 =	vor.u32 s30, v2;
	v44 =	vld.idx.msk [tilespmem:v53+s3+$0x0], $0xffff;
	[tilespmem:$0x1FEF0] =	vst v2  }
0x87: {  	v62 =	vor.u32 $0x3, v29;
	v1 =	vadd.s32 s31, v2;
	[tilespmem:v56+s4+$0x0] =	vst.idx.msk $0xffff, v41  }
0x88: {  	v0 =	vor.u32 $0x2, v28;
	[tilespmem:v31+s4+$0x0] =	vst.idx.msk $0xffff, v35;
	v31 =	vadd.s32 s24, v3  }
0x89: {  	v2 =	vor.u32 $0x2, v27;
	v34 =	vld.idx.msk [tilespmem:v55+s3+$0x0], $0xffff;
	[tilespmem:v63+s4+$0x0] =	vst.idx.msk $0xffff, v36  }
0x8a: {  	v48 =	vor.u32 $0x2, v26;
	v49 =	vadd.s32 s26, v3;
	v32 =	vld.idx.msk [tilespmem:v57+s3+$0x0], $0xffff;
	[tilespmem:v59+s4+$0x0] =	vst.idx.msk $0xffff, v30  }
0x8b: {  	v38 =	vld.idx.msk [tilespmem:v58+s3+$0x0], $0xffff;
	v30 =	vor.u32 $0x3, v22;
	[tilespmem:v60+s4+$0x0] =	vst.idx.msk $0xffff, v33  }
0x8c: {  	v50 =	vadd.s32 s28, v3;
	v42 =	vld.idx.msk [tilespmem:v62+s3+$0x0], $0xffff;
	[tilespmem:v1+s4+$0x0] =	vst.idx.msk $0xffff, v61  }
0x8d: {  	v52 =	vadd.s32 s25, v3;
	v51 =	vor.u32 $0x3, v24;
	v54 =	vadd.s32 s5, v4;
	v40 =	vld.idx.msk [tilespmem:v0+s3+$0x0], $0xffff;
	[tilespmem:v31+s4+$0x0] =	vst.idx.msk $0xffff, v44  }
0x8e: {  	v53 =	vor.u32 $0x3, v23;
	v55 =	vor.u32 s30, v3;
	v56 =	vand.u32 $0xFF80, v52;
	v37 =	vld.idx.msk [tilespmem:v2+s3+$0x0], $0xffff;
	[tilespmem:$0x1FF00] =	vst v8  }
0x8f: {  	v57 =	vadd.s32 $0x4, v29;
	v58 =	vor.u32 v8, v56;
	v41 =	vld.idx.msk [tilespmem:v48+s3+$0x0], $0xffff;
	[tilespmem:v49+s4+$0x0] =	vst.idx.msk $0xffff, v34  }
0x90: {  	v59 =	vadd.s32 s29, v3;
	v31 =	vor.u32 $0x3, v28;
	v30 =	vld.idx.msk [tilespmem:v30+s3+$0x0], $0xffff;
	[tilespmem:$0x1FF10] =	vst v3  }
0x91: {  	v60 =	vor.u32 $0x3, v25;
	v61 =	vadd.s32 s31, v3;
	[tilespmem:v50+s4+$0x0] =	vst.idx.msk $0xffff, v32  }
0x92: {  	v62 =	vor.u32 $0x3, v27;
	v33 =	vld.idx.msk [tilespmem:v51+s3+$0x0], $0xffff;
	[tilespmem:v54+s4+$0x0] =	vst.idx.msk $0xffff, v42  }
0x93: {  	v0 =	vadd.s32 s24, v4;
	[tilespmem:v55+s4+$0x0] =	vst.idx.msk $0xffff, v40;
	v36 =	vld.idx.msk [tilespmem:v53+s3+$0x0], $0xffff  }
0x94: {  	v63 =	vor.u32 $0x3, v26;
	v1 =	vadd.s32 s26, v4;
	[tilespmem:v58+s4+$0x0] =	vst.idx.msk $0xffff, v38;
	v48 =	vld.idx.msk [tilespmem:v57+s3+$0x0], $0xffff  }
0x95: {  	v2 =	vadd.s32 $0x4, v22;
	[tilespmem:v59+s4+$0x0] =	vst.idx.msk $0xffff, v37;
	v31 =	vld.idx.msk [tilespmem:v31+s3+$0x0], $0xffff  }
0x96: {  	v50 =	vadd.s32 s5, v5;
	v34 =	vld.idx.msk [tilespmem:v60+s3+$0x0], $0xffff;
	[tilespmem:v61+s4+$0x0] =	vst.idx.msk $0xffff, v41  }
0x97: {  	v52 =	vadd.s32 s25, v4;
	v49 =	vadd.s32 $0x4, v24;
	v51 =	vor.u32 s30, v4;
	v32 =	vld.idx.msk [tilespmem:v62+s3+$0x0], $0xffff;
	[tilespmem:$0x1FF20] =	vst v9  }
0x98: {  	v37 =	vand.u32 $0xFF80, v52;
	v55 =	vadd.s32 s28, v4;
	v53 =	vadd.s32 $0x5, v29;
	[tilespmem:v0+s4+$0x0] =	vst.idx.msk $0xffff, v30  }
0x99: {  	v54 =	vadd.s32 $0x4, v28;
	v37 =	vor.u32 v9, v37;
	v56 =	vld.idx.msk [tilespmem:v63+s3+$0x0], $0xffff;
	[tilespmem:v1+s4+$0x0] =	vst.idx.msk $0xffff, v33  }
0x9a: {  	v58 =	vadd.s32 $0x4, v25;
	v57 =	vadd.s32 s29, v4;
	v39 =	vld.idx.msk [tilespmem:v2+s3+$0x0], $0xffff;
	[tilespmem:$0x1FF30] =	vst v4  }
0x9b: {  	v59 =	vadd.s32 s31, v4;
	v60 =	vadd.s32 $0x4, v27;
	[tilespmem:v50+s4+$0x0] =	vst.idx.msk $0xffff, v48  }
0x9c: {  	v30 =	vadd.s32 $0x4, v23;
	v61 =	vld.idx.msk [tilespmem:v49+s3+$0x0], $0xffff;
	[tilespmem:v51+s4+$0x0] =	vst.idx.msk $0xffff, v31  }
0x9d: {  	v31 =	vadd.s32 s24, v5;
	[tilespmem:v55+s4+$0x0] =	vst.idx.msk $0xffff, v36;
	v63 =	vld.idx.msk [tilespmem:v53+s3+$0x0], $0xffff  }
0x9e: {  	v62 =	vadd.s32 $0x4, v26;
	v1 =	vadd.s32 s5, v10;
	[tilespmem:v37+s4+$0x0] =	vst.idx.msk $0xffff, v34;
	v35 =	vld.idx.msk [tilespmem:v54+s3+$0x0], $0xffff  }
0x9f: {  	v0 =	vadd.s32 $0x5, v22;
	[tilespmem:v57+s4+$0x0] =	vst.idx.msk $0xffff, v32;
	v33 =	vld.idx.msk [tilespmem:v58+s3+$0x0], $0xffff  }
0xa0: {  	v2 =	vor.u32 s30, v5;
	v38 =	vld.idx.msk [tilespmem:v60+s3+$0x0], $0xffff;
	[tilespmem:v59+s4+$0x0] =	vst.idx.msk $0xffff, v56  }
0xa1: {  	v48 =	vadd.s32 $0x6, v29;
	v49 =	vadd.s32 s25, v5;
	v50 =	vadd.s32 s26, v5;
	v30 =	vld.idx.msk [tilespmem:v30+s3+$0x0], $0xffff;
	[tilespmem:$0x1FF40] =	vst v12  }
0xa2: {  	v52 =	vadd.s32 s28, v5;
	v51 =	vadd.s32 $0x5, v28;
	v37 =	vand.u32 $0xFF80, v49;
	[tilespmem:v31+s4+$0x0] =	vst.idx.msk $0xffff, v39  }
0xa3: {  	v53 =	vadd.s32 $0x5, v24;
	v37 =	vor.u32 v12, v37;
	v54 =	vld.idx.msk [tilespmem:v62+s3+$0x0], $0xffff;
	[tilespmem:v1+s4+$0x0] =	vst.idx.msk $0xffff, v63  }
0xa4: {  	v55 =	vadd.s32 s29, v5;
	v56 =	vadd.s32 $0x5, v25;
	v57 =	vld.idx.msk [tilespmem:v0+s3+$0x0], $0xffff;
	[tilespmem:$0x1FF50] =	vst v5  }
0xa5: {  	v58 =	vadd.s32 s31, v5;
	v59 =	vadd.s32 $0x5, v27;
	[tilespmem:v2+s4+$0x0] =	vst.idx.msk $0xffff, v35  }
0xa6: {  	v31 =	vadd.s32 $0x5, v23;
	v34 =	vld.idx.msk [tilespmem:v48+s3+$0x0], $0xffff;
	[tilespmem:v50+s4+$0x0] =	vst.idx.msk $0xffff, v61  }
0xa7: {  	v63 =	vadd.s32 s24, v10;
	[tilespmem:v52+s4+$0x0] =	vst.idx.msk $0xffff, v30;
	v43 =	vld.idx.msk [tilespmem:v51+s3+$0x0], $0xffff  }
0xa8: {  	v60 =	vadd.s32 $0x5, v26;
	v61 =	vadd.s32 s5, v11;
	[tilespmem:v37+s4+$0x0] =	vst.idx.msk $0xffff, v33;
	v46 =	vld.idx.msk [tilespmem:v53+s3+$0x0], $0xffff  }
0xa9: {  	v62 =	vor.u32 s30, v10;
	v30 =	vadd.s32 $0x7, v29;
	[tilespmem:v55+s4+$0x0] =	vst.idx.msk $0xffff, v38;
	v36 =	vld.idx.msk [tilespmem:v56+s3+$0x0], $0xffff  }
0xaa: {  	v0 =	vadd.s32 $0x6, v28;
	v35 =	vld.idx.msk [tilespmem:v59+s3+$0x0], $0xffff;
	[tilespmem:v58+s4+$0x0] =	vst.idx.msk $0xffff, v54  }
0xab: {  	v1 =	vadd.s32 s25, v10;
	v2 =	vadd.s32 s26, v10;
	v31 =	vld.idx.msk [tilespmem:v31+s3+$0x0], $0xffff;
	[tilespmem:$0x1FF60] =	vst v13  }
0xac: {  	v37 =	vand.u32 $0xFF80, v1;
	v48 =	vadd.s32 s28, v10;
	[tilespmem:v63+s4+$0x0] =	vst.idx.msk $0xffff, v57  }
0xad: {  	v12 =	vadd.s32 $0x6, v22;
	v37 =	vor.u32 v13, v37;
	v51 =	vld.idx.msk [tilespmem:v60+s3+$0x0], $0xffff;
	[tilespmem:v61+s4+$0x0] =	vst.idx.msk $0xffff, v34  }
0xae: {  	v49 =	vadd.s32 $0x6, v24;
	v52 =	vadd.s32 s29, v10;
	[tilespmem:v62+s4+$0x0] =	vst.idx.msk $0xffff, v43;
	v30 =	vld.idx.msk [tilespmem:v30+s3+$0x0], $0xffff  }
0xaf: {  	v50 =	vadd.s32 $0x6, v23;
	v56 =	vadd.s32 s31, v10;
	v33 =	vld.idx.msk [tilespmem:v0+s3+$0x0], $0xffff;
	[tilespmem:$0x1FF70] =	vst v10  }
0xb0: {  	v55 =	vadd.s32 s5, v14;
	v53 =	vadd.s32 $0x6, v25;
	[tilespmem:v2+s4+$0x0] =	vst.idx.msk $0xffff, v46  }
0xb1: {  	v54 =	vadd.s32 $0x6, v27;
	[tilespmem:v48+s4+$0x0] =	vst.idx.msk $0xffff, v31  }
0xb2: {  	v58 =	vor.u32 s30, v11;
	v57 =	vadd.s32 $0x8, v29;
	v47 =	vld.idx.msk [tilespmem:v12+s3+$0x0], $0xffff;
	[tilespmem:v37+s4+$0x0] =	vst.idx.msk $0xffff, v36  }
0xb3: {  	v60 =	vadd.s32 s24, v11;
	v31 =	vadd.s32 $0x6, v26;
	[tilespmem:v52+s4+$0x0] =	vst.idx.msk $0xffff, v35;
	v59 =	vld.idx.msk [tilespmem:v49+s3+$0x0], $0xffff  }
0xb4: {  	v61 =	vadd.s32 $0x7, v28;
	v62 =	vadd.s32 s25, v11;
	v32 =	vld.idx.msk [tilespmem:v50+s3+$0x0], $0xffff;
	[tilespmem:v56+s4+$0x0] =	vst.idx.msk $0xffff, v51  }
0xb5: {  	v63 =	vadd.s32 s26, v11;
	v37 =	vand.u32 $0xFF80, v62;
	v40 =	vld.idx.msk [tilespmem:v53+s3+$0x0], $0xffff;
	[tilespmem:v55+s4+$0x0] =	vst.idx.msk $0xffff, v30  }
0xb6: {  	v43 =	vld.idx.msk [tilespmem:v54+s3+$0x0], $0xffff;
	v2 =	vor.u32 v15, v37;
	[tilespmem:$0x1FF80] =	vst v15  }
0xb7: {  	v0 =	vadd.s32 $0x7, v22;
	v48 =	vadd.s32 s29, v11;
	v38 =	vld.idx.msk [tilespmem:v57+s3+$0x0], $0xffff;
	[tilespmem:v58+s4+$0x0] =	vst.idx.msk $0xffff, v33  }
0xb8: {  	v1 =	vadd.s32 $0x7, v24;
	v30 =	vadd.s32 s28, v11;
	v31 =	vld.idx.msk [tilespmem:v31+s3+$0x0], $0xffff;
	[tilespmem:v60+s4+$0x0] =	vst.idx.msk $0xffff, v47  }
0xb9: {  	v13 =	vadd.s32 $0x7, v25;
	v15 =	vadd.s32 s5, v16;
	v36 =	vld.idx.msk [tilespmem:v61+s3+$0x0], $0xffff;
	[tilespmem:$0x1FF90] =	vst v11  }
0xba: {  	v49 =	vadd.s32 s31, v11;
	v50 =	vadd.s32 $0x7, v27;
	[tilespmem:v63+s4+$0x0] =	vst.idx.msk $0xffff, v59  }
0xbb: {  	v12 =	vadd.s32 $0x7, v23;
	v52 =	vor.u32 s30, v14;
	[tilespmem:v2+s4+$0x0] =	vst.idx.msk $0xffff, v40  }
0xbc: {  	v29 =	vadd.s32 $0x9, v29;
	v51 =	vld.idx.msk [tilespmem:v0+s3+$0x0], $0xffff;
	[tilespmem:v48+s4+$0x0] =	vst.idx.msk $0xffff, v43  }
0xbd: {  	v54 =	vadd.s32 s24, v14;
	[tilespmem:v30+s4+$0x0] =	vst.idx.msk $0xffff, v32;
	v30 =	vadd.s32 $0x7, v26;
	v53 =	vld.idx.msk [tilespmem:v1+s3+$0x0], $0xffff  }
0xbe: {  	v55 =	vadd.s32 $0x8, v28;
	v33 =	vld.idx.msk [tilespmem:v13+s3+$0x0], $0xffff;
	[tilespmem:v15+s4+$0x0] =	vst.idx.msk $0xffff, v38  }
0xbf: {  	v56 =	vadd.s32 s26, v14;
	v58 =	vadd.s32 s25, v14;
	v35 =	vld.idx.msk [tilespmem:v50+s3+$0x0], $0xffff;
	[tilespmem:v49+s4+$0x0] =	vst.idx.msk $0xffff, v31  }
0xc0: {  	v44 =	vand.u32 $0xFF80, v58;
	v59 =	vadd.s32 s28, v14;
	v37 =	vld.idx.msk [tilespmem:v12+s3+$0x0], $0xffff;
	[tilespmem:v52+s4+$0x0] =	vst.idx.msk $0xffff, v36  }
0xc1: {  	v57 =	vadd.s32 $0x8, v22;
	v63 =	vor.u32 v17, v44;
	v29 =	vld.idx.msk [tilespmem:v29+s3+$0x0], $0xffff;
	[tilespmem:$0x1FFA0] =	vst v17  }
0xc2: {  	v60 =	vadd.s32 $0x8, v24;
	v0 =	vadd.s32 s29, v14;
	v30 =	vld.idx.msk [tilespmem:v30+s3+$0x0], $0xffff;
	[tilespmem:v54+s4+$0x0] =	vst.idx.msk $0xffff, v51  }
0xc3: {  	v61 =	vadd.s32 s5, v18;
	v31 =	vadd.s32 $0x8, v23;
	v2 =	vld.idx.msk [tilespmem:v55+s3+$0x0], $0xffff;
	[tilespmem:$0x1FFB0] =	vst v14  }
0xc4: {  	v62 =	vadd.s32 $0x9, v21;
	[tilespmem:v56+s4+$0x0] =	vst.idx.msk $0xffff, v53  }
0xc5: {  	v12 =	vadd.s32 s31, v14;
	[tilespmem:v59+s4+$0x0] =	vst.idx.msk $0xffff, v37  }
0xc6: {  	v1 =	vadd.s32 $0x8, v25;
	v14 =	vld.idx.msk [tilespmem:v57+s3+$0x0], $0xffff;
	[tilespmem:v63+s4+$0x0] =	vst.idx.msk $0xffff, v33  }
0xc7: {  	v13 =	vadd.s32 $0x8, v27;
	v15 =	vor.u32 s30, v16;
	[tilespmem:v0+s4+$0x0] =	vst.idx.msk $0xffff, v35;
	v45 =	vld.idx.msk [tilespmem:v60+s3+$0x0], $0xffff  }
0xc8: {  	v52 =	vadd.s32 s24, v16;
	v17 =	vadd.s32 $0x8, v26;
	[tilespmem:v61+s4+$0x0] =	vst.idx.msk $0xffff, v29;
	v29 =	vadd.s32 s25, v16;
	v31 =	vld.idx.msk [tilespmem:v31+s3+$0x0], $0xffff  }
0xc9: {  	v28 =	vadd.s32 $0x9, v28;
	v53 =	vadd.s32 s26, v16;
	v59 =	vand.u32 $0xFF80, v29;
	v29 =	vld.idx.msk [tilespmem:v62+s3+$0x0], $0xffff;
	[tilespmem:$0x1FFC0] =	vst v19  }
0xca: {  	v60 =	vadd.s32 $0x9, v22;
	[tilespmem:v12+s4+$0x0] =	vst.idx.msk $0xffff, v30  }
0xcb: {  	v61 =	vadd.s32 s28, v16;
	v38 =	vld.idx.msk [tilespmem:v1+s3+$0x0], $0xffff;
	[tilespmem:$0x1FFD0] =	vst v16  }
0xcc: {  	v56 =	vadd.s32 $0x9, v23;
	v23 =	vld.idx.msk [tilespmem:v13+s3+$0x0], $0xffff;
	[tilespmem:v15+s4+$0x0] =	vst.idx.msk $0xffff, v2  }
0xcd: {  	v4 =	vadd.s32 s23, v18;
	v62 =	vadd.s32 $0x9, v24;
	v39 =	vld.idx.msk [tilespmem:v17+s3+$0x0], $0xffff;
	[tilespmem:v52+s4+$0x0] =	vst.idx.msk $0xffff, v14  }
0xce: {  	v10 =	vadd.s32 $0x9, v26;
	v26 =	vadd.s32 s26, v18;
	v37 =	vadd.s32 s29, v16;
	v40 =	vld.idx.msk [tilespmem:v28+s3+$0x0], $0xffff;
	[tilespmem:v53+s4+$0x0] =	vst.idx.msk $0xffff, v45  }
0xcf: {  	v35 =	vadd.s32 $0x9, v25;
	v25 =	vor.u32 s30, v18;
	v63 =	vadd.s32 s25, v18;
	v41 =	vld.idx.msk [tilespmem:v60+s3+$0x0], $0xffff;
	[tilespmem:$0x1FFE0] =	vst v20  }
0xd0: {  	v33 =	vadd.s32 s28, v18;
	v24 =	vadd.s32 s31, v16;
	v36 =	vor.u32 v19, v59;
	[tilespmem:v61+s4+$0x0] =	vst.idx.msk $0xffff, v31  }
0xd1: {  	v30 =	vadd.s32 $0x9, v27;
	v27 =	vadd.s32 s24, v18;
	v28 =	vand.u32 $0xFF80, v63;
	[tilespmem:$0x1FFF0] =	vst v18  }
0xd2: {  	s6 =	simm.s32 $0x8;
	s7 =	simm.s32 $0x140;
	v32 =	vor.u32 v20, v28;
	v28 =	vadd.s32 s31, v18;
	v31 =	vadd.s32 s29, v18;
	v42 =	vld.idx.msk [tilespmem:v62+s3+$0x0], $0xffff  }
.LBB2_1:
0xd3: {  	v43 =	vld [tilespmem:s7+$0x30]  }
0xd4: {  	v58 =	vld [tilespmem:s7+$0xFFFFFFD0]  }
0xd5: {  	v59 =	vld [tilespmem:s7+$0xFFFFFFE0]  }
0xd6: {  	v60 =	vld [tilespmem:s7+$0xFFFFFFF0]  }
0xd7: {  	v34 =	vld.idx.msk [tilespmem:v56+s3+$0x0], $0xffff  }
0xd8: {  	v16 =	vld [tilespmem:$0x1FED0]  }
0xd9: {  	v1 =	vld [tilespmem:$0x1FEC0]  }
0xda: {  	v18 =	vld [tilespmem:$0x1FEB0]  }
0xdb: {  	v19 =	vld [tilespmem:$0x1FEF0]  }
0xdc: {  	v2 =	vld [tilespmem:$0x1FF00]  }
0xdd: {  	v3 =	vld [tilespmem:$0x1FF50];
	[tilespmem:v36+s4+$0x0] =	vst.idx.msk $0xffff, v38  }
0xde: {  	[tilespmem:v37+s4+$0x0] =	vst.idx.msk $0xffff, v23;
	v61 =	vld [tilespmem:s7+$0x0]  }
0xdf: {  	[tilespmem:v24+s4+$0x0] =	vst.idx.msk $0xffff, v39;
	v62 =	vld [tilespmem:s7+$0x10];
	v23 =	vmul.u32 $0x64, v43  }
0xe0: {  	v0 =	vmov v28;
	[tilespmem:v25+s4+$0x0] =	vst.idx.msk $0xffff, v40;
	v24 =	vmul.u32 $0x64, v58;
	v63 =	vld [tilespmem:s7+$0x20]  }
0xe1: {  	[tilespmem:$0x1FEA0] =	vst v0;
	v12 =	vld [tilespmem:s7+$0xFFFFFFC0];
	v25 =	vmul.u32 $0x64, v59  }
0xe2: {  	v0 =	vld [tilespmem:$0x1FF30];
	[tilespmem:v26+s4+$0x0] =	vst.idx.msk $0xffff, v42;
	v26 =	vmul.u32 $0x64, v60  }
0xe3: {  	[tilespmem:v27+s4+$0x0] =	vst.idx.msk $0xffff, v41;
	v35 =	vld.idx.msk [tilespmem:v35+s3+$0x0], $0xffff;
	v27 =	vmul.u32 $0x64, v61  }
0xe4: {  	[tilespmem:v4+s4+$0x0] =	vst.idx.msk $0xffff, v29;
	v13 =	vld.idx.msk [tilespmem:v30+s3+$0x0], $0xffff;
	v29 =	vmul.u32 $0x64, v62  }
0xe5: {  	v28 =	vmul.u32 $0x64, v63;
	v14 =	vld.idx.msk [tilespmem:v23+s3+$0x0], $0xffff  }
0xe6: {  	s5 =	sadd.s32 $0x500, s5;
	v30 =	vmul.u32 $0x64, v12;
	v15 =	vld.idx.msk [tilespmem:v24+s3+$0x0], $0xffff  }
0xe7: {  	s8 =	sadd.s32 $0xFFFFFC40, s5;
	v48 =	vadd.s32 s5, v16;
	v50 =	vld.idx.msk [tilespmem:v25+s3+$0x0], $0xffff  }
0xe8: {  	s10 =	sadd.s32 $0xFFFFFD80, s5;
	v53 =	vadd.s32 s8, v16;
	v54 =	vld.idx.msk [tilespmem:v26+s3+$0x0], $0xffff  }
0xe9: {  	v17 =	vadd.s32 s10, v16;
	v55 =	vld.idx.msk [tilespmem:v27+s3+$0x0], $0xffff  }
0xea: {  	s12 =	sadd.s32 $0xFFFFFE20, s5;
	s14 =	sadd.s32 $0xFFFFFCE0, s5;
	v52 =	vor.u32 $0x1, v23;
	[tilespmem:v33+s4+$0x0] =	vst.idx.msk $0xffff, v34;
	v56 =	vld.idx.msk [tilespmem:v29+s3+$0x0], $0xffff  }
0xeb: {  	v51 =	vadd.s32 s12, v16;
	v37 =	vor.u32 $0x1, v24;
	v33 =	vadd.s32 s14, v16;
	[tilespmem:v32+s4+$0x0] =	vst.idx.msk $0xffff, v35;
	v58 =	vld.idx.msk [tilespmem:v28+s3+$0x0], $0xffff  }
0xec: {  	v51 =	vand.u32 $0xFF80, v51;
	v38 =	vor.u32 $0x1, v25;
	[tilespmem:v48+s4+$0x0] =	vst.idx.msk $0xffff, v14;
	v60 =	vld.idx.msk [tilespmem:v30+s3+$0x0], $0xffff  }
0xed: {  	s11 =	sadd.s32 $0xFFFFFBA0, s5;
	s9 =	sadd.s32 $0xFFFFFEC0, s5;
	v39 =	vor.u32 $0x1, v26;
	v51 =	vor.u32 v18, v51;
	[tilespmem:v53+s4+$0x0] =	vst.idx.msk $0xffff, v15;
	v15 =	vld [tilespmem:$0x1FEE0]  }
0xee: {  	v49 =	vor.u32 s11, v16;
	v45 =	vor.u32 $0x1, v27;
	v35 =	vadd.s32 s9, v16;
	[tilespmem:v17+s4+$0x0] =	vst.idx.msk $0xffff, v54;
	v17 =	vld [tilespmem:$0x1FF10]  }
0xef: {  	s13 =	sadd.s32 $0xFFFFFF60, s5;
	v49 =	vand.u32 v1, v49;
	v47 =	vor.u32 $0x1, v29;
	v52 =	vld.idx.msk [tilespmem:v52+s3+$0x0], $0xffff  }
0xf0: {  	v57 =	vadd.s32 s13, v16;
	v41 =	vadd.s32 s10, v19;
	v32 =	vor.u32 $0x1, v30;
	[tilespmem:v33+s4+$0x0] =	vst.idx.msk $0xffff, v50;
	v37 =	vld.idx.msk [tilespmem:v37+s3+$0x0], $0xffff  }
0xf1: {  	v8 =	vor.u32 s11, v0;
	v59 =	vor.u32 $0x1, v28;
	[tilespmem:v31+s4+$0x0] =	vst.idx.msk $0xffff, v13;
	v13 =	vadd.s32 s8, v19;
	v38 =	vld.idx.msk [tilespmem:v38+s3+$0x0], $0xffff  }
0xf2: {  	v42 =	vor.u32 $0x2, v24;
	v43 =	vor.u32 $0x2, v25;
	v16 =	vadd.s32 s5, v19;
	v39 =	vld.idx.msk [tilespmem:v39+s3+$0x0], $0xffff;
	[tilespmem:v51+s4+$0x0] =	vst.idx.msk $0xffff, v55  }
0xf3: {  	v44 =	vor.u32 $0x2, v26;
	v12 =	vadd.s32 s12, v19;
	v61 =	vor.u32 $0x2, v23;
	[tilespmem:v35+s4+$0x0] =	vst.idx.msk $0xffff, v56;
	v45 =	vld.idx.msk [tilespmem:v45+s3+$0x0], $0xffff  }
0xf4: {  	v40 =	vand.u32 $0xFF80, v12;
	v12 =	vadd.s32 s14, v0;
	v14 =	vadd.s32 s14, v19;
	[tilespmem:v49+s4+$0x0] =	vst.idx.msk $0xffff, v60;
	v47 =	vld.idx.msk [tilespmem:v47+s3+$0x0], $0xffff  }
0xf5: {  	v46 =	vor.u32 $0x2, v27;
	v62 =	vor.u32 $0x2, v30;
	v34 =	vor.u32 $0x2, v29;
	[tilespmem:v57+s4+$0x0] =	vst.idx.msk $0xffff, v58;
	v32 =	vld.idx.msk [tilespmem:v32+s3+$0x0], $0xffff  }
0xf6: {  	v31 =	vor.u32 s11, v19;
	v40 =	vor.u32 v15, v40;
	v18 =	vadd.s32 s12, v17;
	[tilespmem:v13+s4+$0x0] =	vst.idx.msk $0xffff, v37;
	v37 =	vld.idx.msk [tilespmem:v59+s3+$0x0], $0xffff  }
0xf7: {  	v33 =	vadd.s32 s9, v19;
	v63 =	vor.u32 s11, v17;
	v51 =	vand.u32 $0xFF80, v18;
	[tilespmem:v16+s4+$0x0] =	vst.idx.msk $0xffff, v52;
	v18 =	vld [tilespmem:$0x1FF20]  }
0xf8: {  	v55 =	vadd.s32 s8, v17;
	v6 =	vadd.s32 s14, v17;
	v35 =	vadd.s32 s10, v17;
	v60 =	vld.idx.msk [tilespmem:v61+s3+$0x0], $0xffff  }
0xf9: {  	v50 =	vadd.s32 s13, v19;
	v56 =	vadd.s32 s9, v17;
	v53 =	vadd.s32 s13, v17;
	[tilespmem:v14+s4+$0x0] =	vst.idx.msk $0xffff, v38;
	v42 =	vld.idx.msk [tilespmem:v42+s3+$0x0], $0xffff  }
0xfa: {  	v54 =	vor.u32 $0x2, v28;
	v57 =	vadd.s32 s5, v17;
	v17 =	vadd.s32 s12, v0;
	[tilespmem:v41+s4+$0x0] =	vst.idx.msk $0xffff, v39;
	v43 =	vld.idx.msk [tilespmem:v43+s3+$0x0], $0xffff  }
0xfb: {  	v48 =	vadd.s32 s8, v0;
	v15 =	vadd.s32 s13, v0;
	v38 =	vand.u32 $0xFF80, v17;
	v39 =	vld.idx.msk [tilespmem:v44+s3+$0x0], $0xffff;
	[tilespmem:v40+s4+$0x0] =	vst.idx.msk $0xffff, v45  }
0xfc: {  	v13 =	vadd.s32 s9, v0;
	v44 =	vadd.s32 s10, v0;
	[tilespmem:v33+s4+$0x0] =	vst.idx.msk $0xffff, v47;
	v47 =	vadd.s32 s5, v0;
	v0 =	vld [tilespmem:$0x1FF70]  }
0xfd: {  	v19 =	vor.u32 $0x3, v23;
	v40 =	vor.u32 v18, v38;
	[tilespmem:v31+s4+$0x0] =	vst.idx.msk $0xffff, v32;
	v38 =	vld.idx.msk [tilespmem:v46+s3+$0x0], $0xffff  }
0xfe: {  	[tilespmem:$0x1FE90] =	vst v10;
	v49 =	vor.u32 $0x3, v24;
	v46 =	vld.idx.msk [tilespmem:v62+s3+$0x0], $0xffff  }
0xff: {  	v52 =	vor.u32 $0x3, v25;
	[tilespmem:v50+s4+$0x0] =	vst.idx.msk $0xffff, v37;
	v34 =	vld.idx.msk [tilespmem:v34+s3+$0x0], $0xffff  }
0x100: {  	v51 =	vor.u32 v2, v51;
	v61 =	vor.u32 $0x3, v26;
	[tilespmem:v55+s4+$0x0] =	vst.idx.msk $0xffff, v42;
	v42 =	vld [tilespmem:$0x1FF40]  }
0x101: {  	[tilespmem:v57+s4+$0x0] =	vst.idx.msk $0xffff, v60;
	v14 =	vld.idx.msk [tilespmem:v54+s3+$0x0], $0xffff  }
0x102: {  	v1 =	vor.u32 $0x3, v30;
	[tilespmem:v6+s4+$0x0] =	vst.idx.msk $0xffff, v43;
	v31 =	vld.idx.msk [tilespmem:v19+s3+$0x0], $0xffff  }
0x103: {  	v7 =	vor.u32 $0x3, v27;
	v36 =	vor.u32 $0x3, v29;
	v17 =	vadd.s32 s9, v3;
	[tilespmem:v35+s4+$0x0] =	vst.idx.msk $0xffff, v39;
	v49 =	vld.idx.msk [tilespmem:v49+s3+$0x0], $0xffff  }
0x104: {  	v58 =	vor.u32 $0x3, v28;
	v50 =	vadd.s32 s8, v3;
	v62 =	vor.u32 s11, v3;
	v43 =	vld.idx.msk [tilespmem:v52+s3+$0x0], $0xffff;
	[tilespmem:v63+s4+$0x0] =	vst.idx.msk $0xffff, v46  }
0x105: {  	v37 =	vadd.s32 $0x4, v23;
	v55 =	vadd.s32 s14, v3;
	v6 =	vadd.s32 s10, v3;
	v61 =	vld.idx.msk [tilespmem:v61+s3+$0x0], $0xffff;
	[tilespmem:v51+s4+$0x0] =	vst.idx.msk $0xffff, v38  }
0x106: {  	v35 =	vadd.s32 s13, v3;
	v19 =	vadd.s32 s12, v3;
	v46 =	vadd.s32 s5, v3;
	v3 =	vld [tilespmem:$0x1FF60];
	[tilespmem:v56+s4+$0x0] =	vst.idx.msk $0xffff, v34  }
0x107: {  	v41 =	vadd.s32 $0x4, v24;
	[tilespmem:v53+s4+$0x0] =	vst.idx.msk $0xffff, v14;
	v1 =	vld.idx.msk [tilespmem:v1+s3+$0x0], $0xffff  }
0x108: {  	v45 =	vadd.s32 $0x4, v25;
	[tilespmem:v47+s4+$0x0] =	vst.idx.msk $0xffff, v31;
	v7 =	vld.idx.msk [tilespmem:v7+s3+$0x0], $0xffff  }
0x109: {  	v32 =	vadd.s32 $0x4, v26;
	v31 =	vadd.s32 s12, v0;
	v36 =	vld.idx.msk [tilespmem:v36+s3+$0x0], $0xffff;
	[tilespmem:v48+s4+$0x0] =	vst.idx.msk $0xffff, v49  }
0x10a: {  	v9 =	vadd.s32 $0x4, v30;
	v48 =	vld.idx.msk [tilespmem:v58+s3+$0x0], $0xffff;
	[tilespmem:v12+s4+$0x0] =	vst.idx.msk $0xffff, v43;
	v31 =	vand.u32 $0xFF80, v31  }
0x10b: {  	v60 =	vadd.s32 $0x4, v29;
	[tilespmem:v44+s4+$0x0] =	vst.idx.msk $0xffff, v61;
	v37 =	vld.idx.msk [tilespmem:v37+s3+$0x0], $0xffff;
	v3 =	vor.u32 v3, v31  }
0x10c: {  	v33 =	vadd.s32 $0x4, v28;
	v16 =	vld.idx.msk [tilespmem:v41+s3+$0x0], $0xffff;
	[tilespmem:$0x1FE30] =	vst v3  }
0x10d: {  	v34 =	vadd.s32 $0x5, v23;
	v14 =	vld.idx.msk [tilespmem:v45+s3+$0x0], $0xffff;
	[tilespmem:v8+s4+$0x0] =	vst.idx.msk $0xffff, v1  }
0x10e: {  	v57 =	vadd.s32 $0x4, v27;
	v32 =	vld.idx.msk [tilespmem:v32+s3+$0x0], $0xffff;
	[tilespmem:v40+s4+$0x0] =	vst.idx.msk $0xffff, v7  }
0x10f: {  	[tilespmem:v13+s4+$0x0] =	vst.idx.msk $0xffff, v36;
	v9 =	vld.idx.msk [tilespmem:v9+s3+$0x0], $0xffff  }
0x110: {  	v59 =	vand.u32 $0xFF80, v19;
	v19 =	vadd.s32 $0x5, v24;
	[tilespmem:v15+s4+$0x0] =	vst.idx.msk $0xffff, v48;
	v36 =	vld.idx.msk [tilespmem:v60+s3+$0x0], $0xffff  }
0x111: {  	v52 =	vadd.s32 $0x5, v25;
	v3 =	vadd.s32 s10, v0;
	[tilespmem:v46+s4+$0x0] =	vst.idx.msk $0xffff, v37;
	v33 =	vld.idx.msk [tilespmem:v33+s3+$0x0], $0xffff  }
0x112: {  	v20 =	vadd.s32 $0x5, v26;
	v63 =	vor.u32 s11, v0;
	[tilespmem:$0x1FE20] =	vst v3;
	v8 =	vld.idx.msk [tilespmem:v34+s3+$0x0], $0xffff  }
0x113: {  	v54 =	vadd.s32 $0x5, v30;
	v51 =	vadd.s32 s14, v0;
	v3 =	vadd.s32 s9, v0;
	[tilespmem:v50+s4+$0x0] =	vst.idx.msk $0xffff, v16;
	v34 =	vld.idx.msk [tilespmem:v57+s3+$0x0], $0xffff  }
0x114: {  	v47 =	vadd.s32 s8, v0;
	v1 =	vadd.s32 s5, v0;
	[tilespmem:$0x1FE40] =	vst v3;
	v3 =	vadd.s32 s13, v0;
	v0 =	vld [tilespmem:$0x1FFB0]  }
0x115: {  	v59 =	vor.u32 v42, v59;
	[tilespmem:v55+s4+$0x0] =	vst.idx.msk $0xffff, v14;
	v19 =	vld.idx.msk [tilespmem:v19+s3+$0x0], $0xffff  }
0x116: {  	v10 =	vadd.s32 $0x5, v29;
	[tilespmem:v6+s4+$0x0] =	vst.idx.msk $0xffff, v32;
	v52 =	vld.idx.msk [tilespmem:v52+s3+$0x0], $0xffff  }
0x117: {  	v11 =	vadd.s32 $0x5, v28;
	v20 =	vld.idx.msk [tilespmem:v20+s3+$0x0], $0xffff;
	[tilespmem:$0x1FE50] =	vst v3  }
0x118: {  	v3 =	vld [tilespmem:$0x1FF90];
	[tilespmem:v62+s4+$0x0] =	vst.idx.msk $0xffff, v9  }
0x119: {  	v7 =	vadd.s32 $0x6, v23;
	[tilespmem:v17+s4+$0x0] =	vst.idx.msk $0xffff, v36;
	v9 =	vld.idx.msk [tilespmem:v54+s3+$0x0], $0xffff  }
0x11a: {  	v53 =	vadd.s32 $0x6, v25;
	[tilespmem:v59+s4+$0x0] =	vst.idx.msk $0xffff, v34;
	v34 =	vld [tilespmem:$0x1FFD0]  }
0x11b: {  	[tilespmem:v35+s4+$0x0] =	vst.idx.msk $0xffff, v33;
	v10 =	vld.idx.msk [tilespmem:v10+s3+$0x0], $0xffff  }
0x11c: {  	v2 =	vadd.s32 $0x5, v27;
	v42 =	vadd.s32 $0x6, v28;
	v49 =	vadd.s32 $0x6, v24;
	[tilespmem:v1+s4+$0x0] =	vst.idx.msk $0xffff, v8;
	v11 =	vld.idx.msk [tilespmem:v11+s3+$0x0], $0xffff  }
0x11d: {  	v50 =	vadd.s32 $0x7, v28;
	v17 =	vadd.s32 $0x8, v28;
	[tilespmem:v51+s4+$0x0] =	vst.idx.msk $0xffff, v52;
	v52 =	vadd.s32 $0x9, v28;
	v28 =	vld [tilespmem:$0x1FE30]  }
0x11e: {  	v7 =	vld.idx.msk [tilespmem:v7+s3+$0x0], $0xffff  }
0x11f: {  	v51 =	vld.idx.msk [tilespmem:v53+s3+$0x0], $0xffff  }
0x120: {  	v56 =	vadd.s32 $0x6, v30;
	v55 =	vadd.s32 s5, v3;
	v53 =	vld [tilespmem:$0x1FE40]  }
0x121: {  	[tilespmem:v47+s4+$0x0] =	vst.idx.msk $0xffff, v19;
	v2 =	vld.idx.msk [tilespmem:v2+s3+$0x0], $0xffff  }
0x122: {  	v6 =	vadd.s32 $0x7, v23;
	v4 =	vor.u32 s11, v3;
	v45 =	vadd.s32 s8, v3;
	v49 =	vld.idx.msk [tilespmem:v49+s3+$0x0], $0xffff  }
0x123: {  	v21 =	vadd.s32 $0x7, v24;
	v18 =	vadd.s32 s12, v3;
	[tilespmem:$0x1FE60] =	vst v4;
	v4 =	vld [tilespmem:$0x1FF80]  }
0x124: {  	v12 =	vadd.s32 $0x6, v26;
	v41 =	vadd.s32 $0x6, v29;
	v38 =	vand.u32 $0xFF80, v18;
	v18 =	vld [tilespmem:$0x1FFA0];
	[tilespmem:v63+s4+$0x0] =	vst.idx.msk $0xffff, v9  }
0x125: {  	v13 =	vadd.s32 $0x7, v26;
	v40 =	vadd.s32 s12, v0;
	v58 =	vadd.s32 s8, v0;
	[tilespmem:v55+s4+$0x0] =	vst.idx.msk $0xffff, v7;
	v55 =	vld.idx.msk [tilespmem:v56+s3+$0x0], $0xffff  }
0x126: {  	v16 =	vadd.s32 s14, v0;
	v1 =	vadd.s32 $0x8, v26;
	v56 =	vadd.s32 $0x9, v26;
	v26 =	vld [tilespmem:$0x1FE20]  }
0x127: {  	v62 =	vadd.s32 $0x8, v24;
	v15 =	vadd.s32 s10, v0;
	v47 =	vadd.s32 s5, v0;
	[tilespmem:v45+s4+$0x0] =	vst.idx.msk $0xffff, v49;
	v6 =	vld.idx.msk [tilespmem:v6+s3+$0x0], $0xffff  }
0x128: {  	v48 =	vadd.s32 s9, v0;
	v37 =	vadd.s32 s14, v3;
	v39 =	vadd.s32 s13, v3;
	[tilespmem:v53+s4+$0x0] =	vst.idx.msk $0xffff, v10;
	v10 =	vld [tilespmem:$0x1FE60]  }
0x129: {  	[tilespmem:$0x1FE70] =	vst v37;
	v37 =	vand.u32 $0xFF80, v40;
	v40 =	vadd.s32 s13, v0;
	v43 =	vor.u32 v4, v38;
	v21 =	vld.idx.msk [tilespmem:v21+s3+$0x0], $0xffff  }
0x12a: {  	[tilespmem:$0x1FE80] =	vst v39;
	v38 =	vor.u32 s11, v0;
	v39 =	vor.u32 v18, v37;
	v37 =	vadd.s32 s12, v34;
	v0 =	vld [tilespmem:$0x1FFF0]  }
0x12b: {  	v32 =	vand.u32 $0xFF80, v37;
	v37 =	vld [tilespmem:$0x1FFC0]  }
0x12c: {  	[tilespmem:v47+s4+$0x0] =	vst.idx.msk $0xffff, v6;
	v6 =	vld [tilespmem:$0x1FE50]  }
0x12d: {  	v5 =	vadd.s32 $0x8, v29;
	v31 =	vadd.s32 $0x6, v27;
	[tilespmem:v28+s4+$0x0] =	vst.idx.msk $0xffff, v2;
	v28 =	vld [tilespmem:$0x1FFE0]  }
0x12e: {  	v61 =	vadd.s32 $0x7, v30;
	v60 =	vadd.s32 $0x7, v29;
	v54 =	vadd.s32 $0x8, v30;
	v2 =	vld.idx.msk [tilespmem:v41+s3+$0x0], $0xffff;
	[tilespmem:v58+s4+$0x0] =	vst.idx.msk $0xffff, v21  }
0x12f: {  	v7 =	vadd.s32 $0x9, v30;
	v30 =	vadd.s32 $0x9, v29;
	v29 =	vadd.s32 $0x8, v23;
	v21 =	vld.idx.msk [tilespmem:v62+s3+$0x0], $0xffff;
	[tilespmem:v26+s4+$0x0] =	vst.idx.msk $0xffff, v20  }
0x130: {  	v4 =	vadd.s32 s8, v34;
	[tilespmem:v10+s4+$0x0] =	vst.idx.msk $0xffff, v55;
	v55 =	vld [tilespmem:$0x1FE70]  }
0x131: {  	v9 =	vadd.s32 $0x9, v24;
	v20 =	vadd.s32 s12, v0;
	v12 =	vld.idx.msk [tilespmem:v12+s3+$0x0], $0xffff  }
0x132: {  	v63 =	vand.u32 $0xFF80, v20;
	v20 =	vld.idx.msk [tilespmem:v31+s3+$0x0], $0xffff  }
0x133: {  	v36 =	vor.u32 v37, v32;
	v32 =	vor.u32 v28, v63;
	v63 =	vld [tilespmem:$0x1FE90]  }
0x134: {  	[tilespmem:v6+s4+$0x0] =	vst.idx.msk $0xffff, v11;
	v6 =	vld.idx.msk [tilespmem:v29+s3+$0x0], $0xffff;
	v11 =	vadd.s32 s5, v34  }
0x135: {  	v22 =	vadd.s32 $0x7, v25;
	v46 =	vadd.s32 s10, v3;
	[tilespmem:v4+s4+$0x0] =	vst.idx.msk $0xffff, v21;
	v4 =	vld [tilespmem:$0x1FEA0]  }
0x136: {  	v41 =	vld.idx.msk [tilespmem:v9+s3+$0x0], $0xffff  }
0x137: {  	v57 =	vadd.s32 $0x7, v27;
	v44 =	vadd.s32 s9, v3;
	v29 =	vld.idx.msk [tilespmem:v61+s3+$0x0], $0xffff  }
0x138: {  	v10 =	vld.idx.msk [tilespmem:v42+s3+$0x0], $0xffff;
	[tilespmem:v55+s4+$0x0] =	vst.idx.msk $0xffff, v51  }
0x139: {  	v23 =	vadd.s32 $0x9, v23;
	[tilespmem:v11+s4+$0x0] =	vst.idx.msk $0xffff, v6;
	v11 =	vld [tilespmem:$0x1FE80]  }
0x13a: {  	[tilespmem:v46+s4+$0x0] =	vst.idx.msk $0xffff, v12;
	v22 =	vld.idx.msk [tilespmem:v22+s3+$0x0], $0xffff  }
0x13b: {  	v18 =	vadd.s32 $0x8, v25;
	[tilespmem:v43+s4+$0x0] =	vst.idx.msk $0xffff, v20;
	v12 =	vld.idx.msk [tilespmem:v13+s3+$0x0], $0xffff  }
0x13c: {  	[tilespmem:v44+s4+$0x0] =	vst.idx.msk $0xffff, v2;
	v57 =	vld.idx.msk [tilespmem:v57+s3+$0x0], $0xffff  }
0x13d: {  	v6 =	vld.idx.msk [tilespmem:v60+s3+$0x0], $0xffff  }
0x13e: {  	v59 =	vadd.s32 $0x8, v27;
	[tilespmem:v38+s4+$0x0] =	vst.idx.msk $0xffff, v29;
	v61 =	vld.idx.msk [tilespmem:v23+s3+$0x0], $0xffff  }
0x13f: {  	v8 =	vor.u32 s11, v34;
	v20 =	vld.idx.msk [tilespmem:v54+s3+$0x0], $0xffff;
	[tilespmem:v16+s4+$0x0] =	vst.idx.msk $0xffff, v22  }
0x140: {  	v14 =	vadd.s32 s14, v34;
	[tilespmem:v15+s4+$0x0] =	vst.idx.msk $0xffff, v12;
	v16 =	vld.idx.msk [tilespmem:v18+s3+$0x0], $0xffff  }
0x141: {  	v19 =	vadd.s32 $0x9, v25;
	v3 =	vadd.s32 s10, v34;
	v62 =	vld.idx.msk [tilespmem:v1+s3+$0x0], $0xffff;
	[tilespmem:v11+s4+$0x0] =	vst.idx.msk $0xffff, v10  }
0x142: {  	s6 =	sadd.s32 $0x8, s6;
	[tilespmem:v39+s4+$0x0] =	vst.idx.msk $0xffff, v57;
	v11 =	vld.idx.msk [tilespmem:v50+s3+$0x0], $0xffff  }
0x143: {  	p0 =	slt.u32 s6, $0x38;
	v38 =	vld.idx.msk [tilespmem:v59+s3+$0x0], $0xffff;
	[tilespmem:v48+s4+$0x0] =	vst.idx.msk $0xffff, v6;
	v10 =	vadd.s32 s5, v0  }
.Ltmp0:
0x144: {  	v23 =	vld.idx.msk [tilespmem:v5+s3+$0x0], $0xffff;
	[tilespmem:v8+s4+$0x0] =	vst.idx.msk $0xffff, v20;
	(pc) =	sbr.rel @p0 .LBB2_1-.Ltmp0, $4  }
0x145: {  	v24 =	vadd.s32 s13, v34;
	v29 =	vld.idx.msk [tilespmem:v63+s3+$0x0], $0xffff;
	[tilespmem:v14+s4+$0x0] =	vst.idx.msk $0xffff, v16  }
0x146: {  	v35 =	vadd.s32 $0x9, v27;
	v25 =	vor.u32 s11, v0;
	v27 =	vadd.s32 s8, v0;
	[tilespmem:v3+s4+$0x0] =	vst.idx.msk $0xffff, v62;
	v42 =	vld.idx.msk [tilespmem:v19+s3+$0x0], $0xffff  }
0x147: {  	v33 =	vadd.s32 s10, v0;
	v26 =	vadd.s32 s14, v0;
	[tilespmem:v40+s4+$0x0] =	vst.idx.msk $0xffff, v11;
	v40 =	vld.idx.msk [tilespmem:v7+s3+$0x0], $0xffff  }
0x148: {  	s7 =	sadd.s32 $0x80, s7;
	v37 =	vadd.s32 s9, v34;
	v31 =	vadd.s32 s9, v0;
	v28 =	vadd.s32 s13, v0;
	[tilespmem:v10+s4+$0x0] =	vst.idx.msk $0xffff, v61;
	v10 =	vmovc v52;
	v39 =	vld.idx.msk [tilespmem:v17+s3+$0x0], $0xffff  }
0x149: {  	_ =	sdelay $0x3  }
0x14a: {  	[tilespmem:v36+s4+$0x0] =	vst.idx.msk $0xffff, v38  }
0x14b: {  	[tilespmem:v37+s4+$0x0] =	vst.idx.msk $0xffff, v23  }
0x14c: {  	v0 =	vld.idx.msk [tilespmem:v56+s3+$0x0], $0xffff;
	[tilespmem:v27+s4+$0x0] =	vst.idx.msk $0xffff, v41  }
0x14d: {  	v1 =	vld.idx.msk [tilespmem:v35+s3+$0x0], $0xffff;
	[tilespmem:v4+s4+$0x0] =	vst.idx.msk $0xffff, v29  }
0x14e: {  	v2 =	vld.idx.msk [tilespmem:v30+s3+$0x0], $0xffff;
	[tilespmem:v24+s4+$0x0] =	vst.idx.msk $0xffff, v39  }
0x14f: {  	[tilespmem:v26+s4+$0x0] =	vst.idx.msk $0xffff, v42;
	v3 =	vld.idx.msk [tilespmem:v10+s3+$0x0], $0xffff  }
0x150: {  	[tilespmem:v25+s4+$0x0] =	vst.idx.msk $0xffff, v40  }
0x151: {  	[tilespmem:v33+s4+$0x0] =	vst.idx.msk $0xffff, v0  }
0x152: {  	s28 =	smul.u32 $0x500, s1;
	[tilespmem:v32+s4+$0x0] =	vst.idx.msk $0xffff, v1  }
0x153: {  	s29 =	simm.s32 $0x0;
	[tilespmem:v31+s4+$0x0] =	vst.idx.msk $0xffff, v2  }
0x154: {  	s30 =	simm.s32 $0x580;
	s31 =	simm.s32 $0x3;
	s2 =	sadd.s32 s2, s28;
	[tilespmem:v28+s4+$0x0] =	vst.idx.msk $0xffff, v3  }
0x155: {  	[hbm4b:s2+s29] =	stream.linear.scatter [tilespmem:s30], [sflag:$0x3], $0x2800, $0x38;
	[tilespmem:$0x2D80] =	vst v63  }
0x156: {  	_ =	swait.ge [sflag:s31], $0x2800  }
0x157: {  	[sflag:s31] =	ssyncset.done $0x0  }
0x158: {  	[sflag:s31] =	ssyncadd.s32 $0xFFFFD800  }
0x159: {  	_ =	sfence.sel $0x180000  }
0x15a: {  	[bflag:$0x0] =	sbarrier.arrive $0xFFFF  }
0x15b: {  	p0 =	sne.s32 s1, $0x0;
	_ =	strace $0x90000047  }
0x15c: {  	s0 =	sadd.s32 @!p0 $0x100000, s0;
	[bflag:$0x2] =	sbarrier.arrive $0xFFFF  }
0x15d: {  	[sflag:s0] =	ssyncadd.tile.s32 @!p0 $0x1;
	_ =	shalt  }
.Lfunc_end2:
_tile_overlayer_lowered:
.L_overlay_start_2:
0x15e: {  	(tag) =	ssettag $0x2  }
0x15f: {  	s0 =	rddreg [dreg:$0x0];
	s2 =	stileid.u32  }
0x160: {  	s1 =	rddreg [dreg:$0x1];
	p0 =	sne.s32 s2, $0x0  }
0x161: {  	s3 =	rddreg [dreg:$0x2];
	[bflag:$0x3] =	sbarrier.arrive $0xFFFF;
	s2 =	simm.s32 @!p0 $0x1C03  }
0x162: {  	[timem:s3], [sflag:s2] =	dma.local @!p0 [hbm:s0], s1  }
0x163: {  	s0 =	simm.s32 @!p0 $0x3  }
0x164: {  	_ =	swait.ge @!p0 [sflag:s0], s1  }
0x165: {  	s1 =	ssub.s32 @!p0 $0x0, s1;
	[sflag:s0] =	ssyncset.done @!p0 $0x0  }
0x166: {  	[sflag:s0] =	ssyncadd.s32 @!p0 s1  }
0x167: {  	[bflag:$0x3] =	sbarrier.arrive $0xFFFF  }
0x168: {  	_ =	shalt  }

</sc_bundles>
